<compile_context>
chip_gen: v7x
topology: tpu7x:2x2x1
jax: 0.10.2.dev20260603
libtpu: 0.0.44.dev20260713+nightly
codegen_flags: <defaults>
</compile_context>

<pallas_src>
import functools

import jax
import jax.numpy as jnp
from jax import lax
from jax.experimental import pallas as pl
from jax.experimental.pallas import tpu as pltpu, tpu_sc as plsc

CHUNK = 128
NBUF = 5


@jax.jit
def _lookup(idx, table):
    info = plsc.get_sparse_core_info()
    nc, ns = info.num_cores, info.num_subcores
    nw = nc * ns
    n = idx.shape[0]
    d = table.shape[1]
    per_w = n // nw
    n_chunks = per_w // CHUNK
    n_groups = n_chunks // NBUF
    idx3 = idx.reshape(nw, n_chunks, CHUNK)

    mesh = plsc.VectorSubcoreMesh(core_axis_name="c", subcore_axis_name="s")

    @functools.partial(
        pl.kernel,
        mesh=mesh,
        out_type=jax.ShapeDtypeStruct((n, d), jnp.float32),
        scratch_types=[
            pltpu.VMEM((n_chunks, CHUNK), jnp.int32),
            [pltpu.VMEM((CHUNK, d), jnp.float32) for _ in range(NBUF)],
            [pltpu.SemaphoreType.DMA for _ in range(NBUF)],
            [pltpu.SemaphoreType.DMA for _ in range(NBUF)],
        ],
    )
    def gather_kernel(idx_hbm, table_hbm, out_hbm, idx_v, bufs, gsems, wsems):
        wid = lax.axis_index("s") * nc + lax.axis_index("c")
        base = wid * per_w

        def gather_start(j, b):
            pltpu.async_copy(table_hbm.at[idx_v.at[j]], bufs[b], gsems[b])

        def gather_wait(j, b):
            pltpu.make_async_copy(
                table_hbm.at[idx_v.at[j]], bufs[b], gsems[b]).wait()

        def out_slab(j):
            return out_hbm.at[pl.ds(base + j * CHUNK, CHUNK)]

        def put_start(j, b):
            pltpu.async_copy(bufs[b], out_slab(j), wsems[b])

        def put_wait(j, b):
            pltpu.make_async_copy(bufs[b], out_slab(j), wsems[b]).wait()

        LOOK = NBUF - 2

        pre = 8
        pltpu.sync_copy(idx_hbm.at[wid, pl.ds(0, pre)],
                        idx_v.at[pl.ds(0, pre)])
        for b in range(LOOK):
            gather_start(b, b)
        pltpu.sync_copy(idx_hbm.at[wid, pl.ds(pre, n_chunks - pre)],
                        idx_v.at[pl.ds(pre, n_chunks - pre)])

        def body(i, carry):
            j0 = i * NBUF
            for b in range(NBUF):
                j = j0 + b
                s = (b + LOOK) % NBUF

                @pl.when(jnp.logical_and(j >= NBUF - LOOK,
                                         j + LOOK < n_chunks))
                def _():
                    put_wait(j - (NBUF - LOOK), s)

                @pl.when(j + LOOK < n_chunks)
                def _():
                    gather_start(j + LOOK, s)

                gather_wait(j, b)
                put_start(j, b)
            return carry

        lax.fori_loop(0, n_groups, body, 0)

        for b in range(NBUF):
            j = n_chunks - NBUF + b
            put_wait(j, j % NBUF)

    return gather_kernel(idx3, table)


def kernel(batch, table):
    b, h = batch.shape
    d = table.shape[1]
    idx = batch.reshape(-1).astype(jnp.int32)
    out = _lookup(idx, table)
    return out.reshape(b, h, d)

# --- scband reference (transcript-rebuilt; emitter-appended) ---
"""Pipeline reference for scband-lookup-encoder-17437567221989 (READ-ONLY COPY).

The authoritative reference and input builder live on the scoring server;
editing this copy changes nothing except your own understanding.
"""

import jax, jax.numpy as jnp
import numpy as np

VOCAB_SIZE = 100000
EMBEDDING_DIM = 128
BATCH = 1024
HIST_LEN = 200


def setup_inputs(seed: int = 0) -> dict:
    key = jax.random.key(seed)
    k_idx, k_tab = jax.random.split(key)
    batch = jax.random.randint(k_idx, (BATCH, HIST_LEN), 0, VOCAB_SIZE, dtype=jnp.int64 if jax.config.jax_enable_x64 else jnp.int32)
    table = jax.random.normal(k_tab, (VOCAB_SIZE, EMBEDDING_DIM), dtype=jnp.float32)
    return {"batch": batch, "table": table}


def reference(batch, table):
    # LookupEncoder.forward: embedding lookup (weights frozen in torch, irrelevant for fwd)
    return jnp.take(table, batch, axis=0)

if __name__ == "__main__":
    import jax
    _d = setup_inputs()
    print(jax.jit(kernel)(*tuple(_d.values())))

</pallas_src>

<mosaic_0001>
#map = affine_map<(d0, d1) -> (0, 0, 0)>
#map1 = affine_map<(d0, d1) -> (0, 0)>
module attributes {stable_mosaic.version = 14 : i64} {
  func.func @gather_kernel(%arg0: i32, %arg1: i32, %arg2: memref<32x50x128xi32, #tpu.memory_space<hbm>>, %arg3: memref<100000x128xf32, #tpu.memory_space<hbm>>, %arg4: memref<204800x128xf32, #tpu.memory_space<hbm>>, %arg5: memref<50x128xi32, #tpu.memory_space<vmem>>, %arg6: memref<128x128xf32, #tpu.memory_space<vmem>>, %arg7: memref<128x128xf32, #tpu.memory_space<vmem>>, %arg8: memref<128x128xf32, #tpu.memory_space<vmem>>, %arg9: memref<128x128xf32, #tpu.memory_space<vmem>>, %arg10: memref<128x128xf32, #tpu.memory_space<vmem>>, %arg11: memref<!tpu.dma_semaphore, #tpu.memory_space<semaphore_mem>>, %arg12: memref<!tpu.dma_semaphore, #tpu.memory_space<semaphore_mem>>, %arg13: memref<!tpu.dma_semaphore, #tpu.memory_space<semaphore_mem>>, %arg14: memref<!tpu.dma_semaphore, #tpu.memory_space<semaphore_mem>>, %arg15: memref<!tpu.dma_semaphore, #tpu.memory_space<semaphore_mem>>, %arg16: memref<!tpu.dma_semaphore, #tpu.memory_space<semaphore_mem>>, %arg17: memref<!tpu.dma_semaphore, #tpu.memory_space<semaphore_mem>>, %arg18: memref<!tpu.dma_semaphore, #tpu.memory_space<semaphore_mem>>, %arg19: memref<!tpu.dma_semaphore, #tpu.memory_space<semaphore_mem>>, %arg20: memref<!tpu.dma_semaphore, #tpu.memory_space<semaphore_mem>>) attributes {dimension_semantics = [#tpu.dimension_semantics<core_parallel>, #tpu.dimension_semantics<subcore_parallel>], iteration_bounds = array<i64: 2, 16>, scalar_prefetch = 0 : i64, scratch_operands = 16 : i64, tpu.core_type = #tpu.core_type<sc_vector_subcore>, window_params = [{transform_indices = #map}, {transform_indices = #map1}, {transform_indices = #map1}]} {
    %mul3A = arith.constant 2 : i32
    %mul3A_0 = arith.muli %arg1, %mul3A : i32
    %add3A = arith.addi %mul3A_0, %arg0 : i32
    %mul3A_1 = arith.constant 6400 : i32
    %mul3A_2 = arith.muli %add3A, %mul3A_1 : i32
    "tpu.region"() ({
      %run_scoped3A = tpu.sem_alloc : memref<!tpu.dma_semaphore, #tpu.memory_space<semaphore_mem>>
      %dma_start3A_57 = arith.constant 0 : i32
      %dma_start3A_58 = arith.constant 0 : i32
      %dma_start3A_59 = tpu.memref_slice %arg5[%dma_start3A_57, %dma_start3A_58] : memref<50x128xi32, #tpu.memory_space<vmem>> -> memref<8x128xi32, #tpu.memory_space<vmem>>
      %dma_start3A_60 = arith.constant 0 : i32
      %dma_start3A_61 = arith.constant 0 : i32
      %dma_start3A_62 = tpu.memref_slice %arg2[%add3A, %dma_start3A_60, %dma_start3A_61] : memref<32x50x128xi32, #tpu.memory_space<hbm>> -> memref<1x8x128xi32, #tpu.memory_space<hbm>>
      %dma_start3A_63 = tpu.memref_squeeze %dma_start3A_62 : memref<1x8x128xi32, #tpu.memory_space<hbm>> -> memref<8x128xi32, #tpu.memory_space<hbm>>
      %dma_start3A_64 = arith.constant 0 : i32
      %dma_start3A_65 = arith.constant 0 : i32
      %dma_start3A_66 = tpu.memref_slice %arg5[%dma_start3A_64, %dma_start3A_65] : memref<50x128xi32, #tpu.memory_space<vmem>> -> memref<8x128xi32, #tpu.memory_space<vmem>>
      %dma_start3A_67 = arith.constant 0 : i32
      %dma_start3A_68 = arith.constant 0 : i32
      %dma_start3A_69 = tpu.memref_slice %arg2[%add3A, %dma_start3A_67, %dma_start3A_68] : memref<32x50x128xi32, #tpu.memory_space<hbm>> -> memref<1x8x128xi32, #tpu.memory_space<hbm>>
      %dma_start3A_70 = tpu.memref_squeeze %dma_start3A_69 : memref<1x8x128xi32, #tpu.memory_space<hbm>> -> memref<8x128xi32, #tpu.memory_space<hbm>>
      tpu.enqueue_dma source(%dma_start3A_70 : memref<8x128xi32, #tpu.memory_space<hbm>>) target(%dma_start3A_66 : memref<8x128xi32, #tpu.memory_space<vmem>>) target_semaphore(%run_scoped3A : memref<!tpu.dma_semaphore, #tpu.memory_space<semaphore_mem>>)
      %dma_wait3A_71 = arith.constant 0 : i32
      %dma_wait3A_72 = arith.constant 0 : i32
      %dma_wait3A_73 = tpu.memref_slice %arg5[%dma_wait3A_71, %dma_wait3A_72] : memref<50x128xi32, #tpu.memory_space<vmem>> -> memref<8x128xi32, #tpu.memory_space<vmem>>
      %dma_wait3A_74 = arith.constant 0 : i32
      %dma_wait3A_75 = arith.constant 0 : i32
      %dma_wait3A_76 = tpu.memref_slice %arg2[%add3A, %dma_wait3A_74, %dma_wait3A_75] : memref<32x50x128xi32, #tpu.memory_space<hbm>> -> memref<1x8x128xi32, #tpu.memory_space<hbm>>
      %dma_wait3A_77 = tpu.memref_squeeze %dma_wait3A_76 : memref<1x8x128xi32, #tpu.memory_space<hbm>> -> memref<8x128xi32, #tpu.memory_space<hbm>>
      %dma_wait3A_78 = arith.constant 0 : i32
      %dma_wait3A_79 = arith.constant 0 : i32
      %dma_wait3A_80 = tpu.memref_slice %arg5[%dma_wait3A_78, %dma_wait3A_79] : memref<50x128xi32, #tpu.memory_space<vmem>> -> memref<8x128xi32, #tpu.memory_space<vmem>>
      %dma_wait3A_81 = arith.constant 0 : i32
      %dma_wait3A_82 = arith.constant 0 : i32
      %dma_wait3A_83 = tpu.memref_slice %arg2[%add3A, %dma_wait3A_81, %dma_wait3A_82] : memref<32x50x128xi32, #tpu.memory_space<hbm>> -> memref<1x8x128xi32, #tpu.memory_space<hbm>>
      %dma_wait3A_84 = tpu.memref_squeeze %dma_wait3A_83 : memref<1x8x128xi32, #tpu.memory_space<hbm>> -> memref<8x128xi32, #tpu.memory_space<hbm>>
      tpu.wait_dma2 semaphore(%run_scoped3A : memref<!tpu.dma_semaphore, #tpu.memory_space<semaphore_mem>>) src(%dma_wait3A_84 : memref<8x128xi32, #tpu.memory_space<hbm>>) dst(%dma_wait3A_80 : memref<8x128xi32, #tpu.memory_space<vmem>>)
      tpu.yield
    }) : () -> ()
    %dma_start3A = arith.constant 0 : i32
    %dma_start3A_3 = arith.constant 0 : i32
    %dma_start3A_4 = tpu.memref_slice %arg5[%dma_start3A, %dma_start3A_3] : memref<50x128xi32, #tpu.memory_space<vmem>> -> memref<1x128xi32, #tpu.memory_space<vmem>>
    %dma_start3A_5 = tpu.memref_squeeze %dma_start3A_4 : memref<1x128xi32, #tpu.memory_space<vmem>> -> memref<128xi32, #tpu.memory_space<vmem>>
    %dma_start3A_6 = arith.constant 0 : i32
    %dma_start3A_7 = arith.constant 0 : i32
    %dma_start3A_8 = tpu.memref_slice %arg3[%dma_start3A_6, %dma_start3A_7] : memref<100000x128xf32, #tpu.memory_space<hbm>> -> memref<100000x128xf32, #tpu.memory_space<hbm>>
    tpu.enqueue_indirect_dma source(%dma_start3A_8 : memref<100000x128xf32, #tpu.memory_space<hbm>>) target(%arg6 : memref<128x128xf32, #tpu.memory_space<vmem>>) offsets(%dma_start3A_5 : memref<128xi32, #tpu.memory_space<vmem>>) semaphore(%arg11 : memref<!tpu.dma_semaphore, #tpu.memory_space<semaphore_mem>>)
    %dma_start3A_9 = arith.constant 1 : i32
    %dma_start3A_10 = arith.constant 0 : i32
    %dma_start3A_11 = tpu.memref_slice %arg5[%dma_start3A_9, %dma_start3A_10] : memref<50x128xi32, #tpu.memory_space<vmem>> -> memref<1x128xi32, #tpu.memory_space<vmem>>
    %dma_start3A_12 = tpu.memref_squeeze %dma_start3A_11 : memref<1x128xi32, #tpu.memory_space<vmem>> -> memref<128xi32, #tpu.memory_space<vmem>>
    %dma_start3A_13 = arith.constant 0 : i32
    %dma_start3A_14 = arith.constant 0 : i32
    %dma_start3A_15 = tpu.memref_slice %arg3[%dma_start3A_13, %dma_start3A_14] : memref<100000x128xf32, #tpu.memory_space<hbm>> -> memref<100000x128xf32, #tpu.memory_space<hbm>>
    tpu.enqueue_indirect_dma source(%dma_start3A_15 : memref<100000x128xf32, #tpu.memory_space<hbm>>) target(%arg7 : memref<128x128xf32, #tpu.memory_space<vmem>>) offsets(%dma_start3A_12 : memref<128xi32, #tpu.memory_space<vmem>>) semaphore(%arg12 : memref<!tpu.dma_semaphore, #tpu.memory_space<semaphore_mem>>)
    %dma_start3A_16 = arith.constant 2 : i32
    %dma_start3A_17 = arith.constant 0 : i32
    %dma_start3A_18 = tpu.memref_slice %arg5[%dma_start3A_16, %dma_start3A_17] : memref<50x128xi32, #tpu.memory_space<vmem>> -> memref<1x128xi32, #tpu.memory_space<vmem>>
    %dma_start3A_19 = tpu.memref_squeeze %dma_start3A_18 : memref<1x128xi32, #tpu.memory_space<vmem>> -> memref<128xi32, #tpu.memory_space<vmem>>
    %dma_start3A_20 = arith.constant 0 : i32
    %dma_start3A_21 = arith.constant 0 : i32
    %dma_start3A_22 = tpu.memref_slice %arg3[%dma_start3A_20, %dma_start3A_21] : memref<100000x128xf32, #tpu.memory_space<hbm>> -> memref<100000x128xf32, #tpu.memory_space<hbm>>
    tpu.enqueue_indirect_dma source(%dma_start3A_22 : memref<100000x128xf32, #tpu.memory_space<hbm>>) target(%arg8 : memref<128x128xf32, #tpu.memory_space<vmem>>) offsets(%dma_start3A_19 : memref<128xi32, #tpu.memory_space<vmem>>) semaphore(%arg13 : memref<!tpu.dma_semaphore, #tpu.memory_space<semaphore_mem>>)
    "tpu.region"() ({
      %run_scoped3A = tpu.sem_alloc : memref<!tpu.dma_semaphore, #tpu.memory_space<semaphore_mem>>
      %dma_start3A_57 = arith.constant 8 : i32
      %dma_start3A_58 = arith.constant 0 : i32
      %dma_start3A_59 = tpu.memref_slice %arg5[%dma_start3A_57, %dma_start3A_58] : memref<50x128xi32, #tpu.memory_space<vmem>> -> memref<42x128xi32, #tpu.memory_space<vmem>>
      %dma_start3A_60 = arith.constant 8 : i32
      %dma_start3A_61 = arith.constant 0 : i32
      %dma_start3A_62 = tpu.memref_slice %arg2[%add3A, %dma_start3A_60, %dma_start3A_61] : memref<32x50x128xi32, #tpu.memory_space<hbm>> -> memref<1x42x128xi32, #tpu.memory_space<hbm>>
      %dma_start3A_63 = tpu.memref_squeeze %dma_start3A_62 : memref<1x42x128xi32, #tpu.memory_space<hbm>> -> memref<42x128xi32, #tpu.memory_space<hbm>>
      %dma_start3A_64 = arith.constant 8 : i32
      %dma_start3A_65 = arith.constant 0 : i32
      %dma_start3A_66 = tpu.memref_slice %arg5[%dma_start3A_64, %dma_start3A_65] : memref<50x128xi32, #tpu.memory_space<vmem>> -> memref<42x128xi32, #tpu.memory_space<vmem>>
      %dma_start3A_67 = arith.constant 8 : i32
      %dma_start3A_68 = arith.constant 0 : i32
      %dma_start3A_69 = tpu.memref_slice %arg2[%add3A, %dma_start3A_67, %dma_start3A_68] : memref<32x50x128xi32, #tpu.memory_space<hbm>> -> memref<1x42x128xi32, #tpu.memory_space<hbm>>
      %dma_start3A_70 = tpu.memref_squeeze %dma_start3A_69 : memref<1x42x128xi32, #tpu.memory_space<hbm>> -> memref<42x128xi32, #tpu.memory_space<hbm>>
      tpu.enqueue_dma source(%dma_start3A_70 : memref<42x128xi32, #tpu.memory_space<hbm>>) target(%dma_start3A_66 : memref<42x128xi32, #tpu.memory_space<vmem>>) target_semaphore(%run_scoped3A : memref<!tpu.dma_semaphore, #tpu.memory_space<semaphore_mem>>)
      %dma_wait3A_71 = arith.constant 8 : i32
      %dma_wait3A_72 = arith.constant 0 : i32
      %dma_wait3A_73 = tpu.memref_slice %arg5[%dma_wait3A_71, %dma_wait3A_72] : memref<50x128xi32, #tpu.memory_space<vmem>> -> memref<42x128xi32, #tpu.memory_space<vmem>>
      %dma_wait3A_74 = arith.constant 8 : i32
      %dma_wait3A_75 = arith.constant 0 : i32
      %dma_wait3A_76 = tpu.memref_slice %arg2[%add3A, %dma_wait3A_74, %dma_wait3A_75] : memref<32x50x128xi32, #tpu.memory_space<hbm>> -> memref<1x42x128xi32, #tpu.memory_space<hbm>>
      %dma_wait3A_77 = tpu.memref_squeeze %dma_wait3A_76 : memref<1x42x128xi32, #tpu.memory_space<hbm>> -> memref<42x128xi32, #tpu.memory_space<hbm>>
      %dma_wait3A_78 = arith.constant 8 : i32
      %dma_wait3A_79 = arith.constant 0 : i32
      %dma_wait3A_80 = tpu.memref_slice %arg5[%dma_wait3A_78, %dma_wait3A_79] : memref<50x128xi32, #tpu.memory_space<vmem>> -> memref<42x128xi32, #tpu.memory_space<vmem>>
      %dma_wait3A_81 = arith.constant 8 : i32
      %dma_wait3A_82 = arith.constant 0 : i32
      %dma_wait3A_83 = tpu.memref_slice %arg2[%add3A, %dma_wait3A_81, %dma_wait3A_82] : memref<32x50x128xi32, #tpu.memory_space<hbm>> -> memref<1x42x128xi32, #tpu.memory_space<hbm>>
      %dma_wait3A_84 = tpu.memref_squeeze %dma_wait3A_83 : memref<1x42x128xi32, #tpu.memory_space<hbm>> -> memref<42x128xi32, #tpu.memory_space<hbm>>
      tpu.wait_dma2 semaphore(%run_scoped3A : memref<!tpu.dma_semaphore, #tpu.memory_space<semaphore_mem>>) src(%dma_wait3A_84 : memref<42x128xi32, #tpu.memory_space<hbm>>) dst(%dma_wait3A_80 : memref<42x128xi32, #tpu.memory_space<vmem>>)
      tpu.yield
    }) : () -> ()
    %scan3A = arith.constant 0 : i32
    %scan3A_23 = arith.constant 0 : i32
    %scan3A_24 = arith.constant 10 : i32
    %scan3A_25 = arith.addi %scan3A_23, %scan3A_24 : i32
    %scan3A_26 = arith.constant 1 : i32
    scf.for %scan3A_57 = %scan3A_23 to %scan3A_25 step %scan3A_26  : i32 {
      %mul3A_58 = arith.constant 5 : i32
      %mul3A_59 = arith.muli %scan3A_57, %mul3A_58 : i32
      %add3A_60 = arith.constant 0 : i32
      %add3A_61 = arith.addi %mul3A_59, %add3A_60 : i32
      %ge3A = arith.constant 2 : i32
      %ge3A_62 = arith.cmpi sge, %add3A_61, %ge3A : i32
      %add3A_63 = arith.constant 3 : i32
      %add3A_64 = arith.addi %add3A_61, %add3A_63 : i32
      %lt3A = arith.constant 50 : i32
      %lt3A_65 = arith.cmpi slt, %add3A_64, %lt3A : i32
      %and3A = arith.andi %ge3A_62, %lt3A_65 : i1
      %convert_element_type3A = arith.extui %and3A : i1 to i32
      %cond3A = arith.constant 0 : i32
      %cond3A_66 = arith.cmpi ne, %convert_element_type3A, %cond3A : i32
      scf.if %cond3A_66 {
        %sub3A = arith.constant 2 : i32
        %sub3A_215 = arith.subi %add3A_61, %sub3A : i32
        %mul3A_216 = arith.constant 128 : i32
        %mul3A_217 = arith.muli %sub3A_215, %mul3A_216 : i32
        %add3A_218 = arith.addi %mul3A_2, %mul3A_217 : i32
        %dma_wait3A_219 = arith.constant 0 : i32
        %dma_wait3A_220 = tpu.memref_slice %arg4[%add3A_218, %dma_wait3A_219] : memref<204800x128xf32, #tpu.memory_space<hbm>> -> memref<128x128xf32, #tpu.memory_space<hbm>>
        %dma_wait3A_221 = arith.constant 0 : i32
        %dma_wait3A_222 = tpu.memref_slice %arg4[%add3A_218, %dma_wait3A_221] : memref<204800x128xf32, #tpu.memory_space<hbm>> -> memref<128x128xf32, #tpu.memory_space<hbm>>
        tpu.wait_dma2 semaphore(%arg19 : memref<!tpu.dma_semaphore, #tpu.memory_space<semaphore_mem>>) src(%arg9 : memref<128x128xf32, #tpu.memory_space<vmem>>) dst(%dma_wait3A_222 : memref<128x128xf32, #tpu.memory_space<hbm>>)
      } else {
      }
      %add3A_67 = arith.constant 3 : i32
      %add3A_68 = arith.addi %add3A_61, %add3A_67 : i32
      %lt3A_69 = arith.constant 50 : i32
      %lt3A_70 = arith.cmpi slt, %add3A_68, %lt3A_69 : i32
      %convert_element_type3A_71 = arith.extui %lt3A_70 : i1 to i32
      %cond3A_72 = arith.constant 0 : i32
      %cond3A_73 = arith.cmpi ne, %convert_element_type3A_71, %cond3A_72 : i32
      scf.if %cond3A_73 {
        %add3A_215 = arith.constant 3 : i32
        %add3A_216 = arith.addi %add3A_61, %add3A_215 : i32
        %dma_start3A_217 = arith.constant 0 : i32
        %dma_start3A_218 = tpu.memref_slice %arg5[%add3A_216, %dma_start3A_217] : memref<50x128xi32, #tpu.memory_space<vmem>> -> memref<1x128xi32, #tpu.memory_space<vmem>>
        %dma_start3A_219 = tpu.memref_squeeze %dma_start3A_218 : memref<1x128xi32, #tpu.memory_space<vmem>> -> memref<128xi32, #tpu.memory_space<vmem>>
        %dma_start3A_220 = arith.constant 0 : i32
        %dma_start3A_221 = arith.constant 0 : i32
        %dma_start3A_222 = tpu.memref_slice %arg3[%dma_start3A_220, %dma_start3A_221] : memref<100000x128xf32, #tpu.memory_space<hbm>> -> memref<100000x128xf32, #tpu.memory_space<hbm>>
        tpu.enqueue_indirect_dma source(%dma_start3A_222 : memref<100000x128xf32, #tpu.memory_space<hbm>>) target(%arg9 : memref<128x128xf32, #tpu.memory_space<vmem>>) offsets(%dma_start3A_219 : memref<128xi32, #tpu.memory_space<vmem>>) semaphore(%arg14 : memref<!tpu.dma_semaphore, #tpu.memory_space<semaphore_mem>>)
      } else {
      }
      %dma_wait3A_74 = arith.constant 0 : i32
      %dma_wait3A_75 = tpu.memref_slice %arg5[%add3A_61, %dma_wait3A_74] : memref<50x128xi32, #tpu.memory_space<vmem>> -> memref<1x128xi32, #tpu.memory_space<vmem>>
      %dma_wait3A_76 = tpu.memref_squeeze %dma_wait3A_75 : memref<1x128xi32, #tpu.memory_space<vmem>> -> memref<128xi32, #tpu.memory_space<vmem>>
      %dma_wait3A_77 = arith.constant 0 : i32
      %dma_wait3A_78 = arith.constant 0 : i32
      %dma_wait3A_79 = tpu.memref_slice %arg3[%dma_wait3A_77, %dma_wait3A_78] : memref<100000x128xf32, #tpu.memory_space<hbm>> -> memref<100000x128xf32, #tpu.memory_space<hbm>>
      tpu.wait_indirect_dma semaphore(%arg11 : memref<!tpu.dma_semaphore, #tpu.memory_space<semaphore_mem>>) src(%dma_wait3A_79 : memref<100000x128xf32, #tpu.memory_space<hbm>>) dst(%arg6 : memref<128x128xf32, #tpu.memory_space<vmem>>)
      %mul3A_80 = arith.constant 128 : i32
      %mul3A_81 = arith.muli %add3A_61, %mul3A_80 : i32
      %add3A_82 = arith.addi %mul3A_2, %mul3A_81 : i32
      %dma_start3A_83 = arith.constant 0 : i32
      %dma_start3A_84 = tpu.memref_slice %arg4[%add3A_82, %dma_start3A_83] : memref<204800x128xf32, #tpu.memory_space<hbm>> -> memref<128x128xf32, #tpu.memory_space<hbm>>
      %dma_start3A_85 = arith.constant 0 : i32
      %dma_start3A_86 = tpu.memref_slice %arg4[%add3A_82, %dma_start3A_85] : memref<204800x128xf32, #tpu.memory_space<hbm>> -> memref<128x128xf32, #tpu.memory_space<hbm>>
      tpu.enqueue_dma source(%arg6 : memref<128x128xf32, #tpu.memory_space<vmem>>) target(%dma_start3A_86 : memref<128x128xf32, #tpu.memory_space<hbm>>) target_semaphore(%arg16 : memref<!tpu.dma_semaphore, #tpu.memory_space<semaphore_mem>>)
      %add3A_87 = arith.constant 1 : i32
      %add3A_88 = arith.addi %mul3A_59, %add3A_87 : i32
      %ge3A_89 = arith.constant 2 : i32
      %ge3A_90 = arith.cmpi sge, %add3A_88, %ge3A_89 : i32
      %add3A_91 = arith.constant 3 : i32
      %add3A_92 = arith.addi %add3A_88, %add3A_91 : i32
      %lt3A_93 = arith.constant 50 : i32
      %lt3A_94 = arith.cmpi slt, %add3A_92, %lt3A_93 : i32
      %and3A_95 = arith.andi %ge3A_90, %lt3A_94 : i1
      %convert_element_type3A_96 = arith.extui %and3A_95 : i1 to i32
      %cond3A_97 = arith.constant 0 : i32
      %cond3A_98 = arith.cmpi ne, %convert_element_type3A_96, %cond3A_97 : i32
      scf.if %cond3A_98 {
        %sub3A = arith.constant 2 : i32
        %sub3A_215 = arith.subi %add3A_88, %sub3A : i32
        %mul3A_216 = arith.constant 128 : i32
        %mul3A_217 = arith.muli %sub3A_215, %mul3A_216 : i32
        %add3A_218 = arith.addi %mul3A_2, %mul3A_217 : i32
        %dma_wait3A_219 = arith.constant 0 : i32
        %dma_wait3A_220 = tpu.memref_slice %arg4[%add3A_218, %dma_wait3A_219] : memref<204800x128xf32, #tpu.memory_space<hbm>> -> memref<128x128xf32, #tpu.memory_space<hbm>>
        %dma_wait3A_221 = arith.constant 0 : i32
        %dma_wait3A_222 = tpu.memref_slice %arg4[%add3A_218, %dma_wait3A_221] : memref<204800x128xf32, #tpu.memory_space<hbm>> -> memref<128x128xf32, #tpu.memory_space<hbm>>
        tpu.wait_dma2 semaphore(%arg20 : memref<!tpu.dma_semaphore, #tpu.memory_space<semaphore_mem>>) src(%arg10 : memref<128x128xf32, #tpu.memory_space<vmem>>) dst(%dma_wait3A_222 : memref<128x128xf32, #tpu.memory_space<hbm>>)
      } else {
      }
      %add3A_99 = arith.constant 3 : i32
      %add3A_100 = arith.addi %add3A_88, %add3A_99 : i32
      %lt3A_101 = arith.constant 50 : i32
      %lt3A_102 = arith.cmpi slt, %add3A_100, %lt3A_101 : i32
      %convert_element_type3A_103 = arith.extui %lt3A_102 : i1 to i32
      %cond3A_104 = arith.constant 0 : i32
      %cond3A_105 = arith.cmpi ne, %convert_element_type3A_103, %cond3A_104 : i32
      scf.if %cond3A_105 {
        %add3A_215 = arith.constant 3 : i32
        %add3A_216 = arith.addi %add3A_88, %add3A_215 : i32
        %dma_start3A_217 = arith.constant 0 : i32
        %dma_start3A_218 = tpu.memref_slice %arg5[%add3A_216, %dma_start3A_217] : memref<50x128xi32, #tpu.memory_space<vmem>> -> memref<1x128xi32, #tpu.memory_space<vmem>>
        %dma_start3A_219 = tpu.memref_squeeze %dma_start3A_218 : memref<1x128xi32, #tpu.memory_space<vmem>> -> memref<128xi32, #tpu.memory_space<vmem>>
        %dma_start3A_220 = arith.constant 0 : i32
        %dma_start3A_221 = arith.constant 0 : i32
        %dma_start3A_222 = tpu.memref_slice %arg3[%dma_start3A_220, %dma_start3A_221] : memref<100000x128xf32, #tpu.memory_space<hbm>> -> memref<100000x128xf32, #tpu.memory_space<hbm>>
        tpu.enqueue_indirect_dma source(%dma_start3A_222 : memref<100000x128xf32, #tpu.memory_space<hbm>>) target(%arg10 : memref<128x128xf32, #tpu.memory_space<vmem>>) offsets(%dma_start3A_219 : memref<128xi32, #tpu.memory_space<vmem>>) semaphore(%arg15 : memref<!tpu.dma_semaphore, #tpu.memory_space<semaphore_mem>>)
      } else {
      }
      %dma_wait3A_106 = arith.constant 0 : i32
      %dma_wait3A_107 = tpu.memref_slice %arg5[%add3A_88, %dma_wait3A_106] : memref<50x128xi32, #tpu.memory_space<vmem>> -> memref<1x128xi32, #tpu.memory_space<vmem>>
      %dma_wait3A_108 = tpu.memref_squeeze %dma_wait3A_107 : memref<1x128xi32, #tpu.memory_space<vmem>> -> memref<128xi32, #tpu.memory_space<vmem>>
      %dma_wait3A_109 = arith.constant 0 : i32
      %dma_wait3A_110 = arith.constant 0 : i32
      %dma_wait3A_111 = tpu.memref_slice %arg3[%dma_wait3A_109, %dma_wait3A_110] : memref<100000x128xf32, #tpu.memory_space<hbm>> -> memref<100000x128xf32, #tpu.memory_space<hbm>>
      tpu.wait_indirect_dma semaphore(%arg12 : memref<!tpu.dma_semaphore, #tpu.memory_space<semaphore_mem>>) src(%dma_wait3A_111 : memref<100000x128xf32, #tpu.memory_space<hbm>>) dst(%arg7 : memref<128x128xf32, #tpu.memory_space<vmem>>)
      %mul3A_112 = arith.constant 128 : i32
      %mul3A_113 = arith.muli %add3A_88, %mul3A_112 : i32
      %add3A_114 = arith.addi %mul3A_2, %mul3A_113 : i32
      %dma_start3A_115 = arith.constant 0 : i32
      %dma_start3A_116 = tpu.memref_slice %arg4[%add3A_114, %dma_start3A_115] : memref<204800x128xf32, #tpu.memory_space<hbm>> -> memref<128x128xf32, #tpu.memory_space<hbm>>
      %dma_start3A_117 = arith.constant 0 : i32
      %dma_start3A_118 = tpu.memref_slice %arg4[%add3A_114, %dma_start3A_117] : memref<204800x128xf32, #tpu.memory_space<hbm>> -> memref<128x128xf32, #tpu.memory_space<hbm>>
      tpu.enqueue_dma source(%arg7 : memref<128x128xf32, #tpu.memory_space<vmem>>) target(%dma_start3A_118 : memref<128x128xf32, #tpu.memory_space<hbm>>) target_semaphore(%arg17 : memref<!tpu.dma_semaphore, #tpu.memory_space<semaphore_mem>>)
      %add3A_119 = arith.constant 2 : i32
      %add3A_120 = arith.addi %mul3A_59, %add3A_119 : i32
      %ge3A_121 = arith.constant 2 : i32
      %ge3A_122 = arith.cmpi sge, %add3A_120, %ge3A_121 : i32
      %add3A_123 = arith.constant 3 : i32
      %add3A_124 = arith.addi %add3A_120, %add3A_123 : i32
      %lt3A_125 = arith.constant 50 : i32
      %lt3A_126 = arith.cmpi slt, %add3A_124, %lt3A_125 : i32
      %and3A_127 = arith.andi %ge3A_122, %lt3A_126 : i1
      %convert_element_type3A_128 = arith.extui %and3A_127 : i1 to i32
      %cond3A_129 = arith.constant 0 : i32
      %cond3A_130 = arith.cmpi ne, %convert_element_type3A_128, %cond3A_129 : i32
      scf.if %cond3A_130 {
        %sub3A = arith.constant 2 : i32
        %sub3A_215 = arith.subi %add3A_120, %sub3A : i32
        %mul3A_216 = arith.constant 128 : i32
        %mul3A_217 = arith.muli %sub3A_215, %mul3A_216 : i32
        %add3A_218 = arith.addi %mul3A_2, %mul3A_217 : i32
        %dma_wait3A_219 = arith.constant 0 : i32
        %dma_wait3A_220 = tpu.memref_slice %arg4[%add3A_218, %dma_wait3A_219] : memref<204800x128xf32, #tpu.memory_space<hbm>> -> memref<128x128xf32, #tpu.memory_space<hbm>>
        %dma_wait3A_221 = arith.constant 0 : i32
        %dma_wait3A_222 = tpu.memref_slice %arg4[%add3A_218, %dma_wait3A_221] : memref<204800x128xf32, #tpu.memory_space<hbm>> -> memref<128x128xf32, #tpu.memory_space<hbm>>
        tpu.wait_dma2 semaphore(%arg16 : memref<!tpu.dma_semaphore, #tpu.memory_space<semaphore_mem>>) src(%arg6 : memref<128x128xf32, #tpu.memory_space<vmem>>) dst(%dma_wait3A_222 : memref<128x128xf32, #tpu.memory_space<hbm>>)
      } else {
      }
      %add3A_131 = arith.constant 3 : i32
      %add3A_132 = arith.addi %add3A_120, %add3A_131 : i32
      %lt3A_133 = arith.constant 50 : i32
      %lt3A_134 = arith.cmpi slt, %add3A_132, %lt3A_133 : i32
      %convert_element_type3A_135 = arith.extui %lt3A_134 : i1 to i32
      %cond3A_136 = arith.constant 0 : i32
      %cond3A_137 = arith.cmpi ne, %convert_element_type3A_135, %cond3A_136 : i32
      scf.if %cond3A_137 {
        %add3A_215 = arith.constant 3 : i32
        %add3A_216 = arith.addi %add3A_120, %add3A_215 : i32
        %dma_start3A_217 = arith.constant 0 : i32
        %dma_start3A_218 = tpu.memref_slice %arg5[%add3A_216, %dma_start3A_217] : memref<50x128xi32, #tpu.memory_space<vmem>> -> memref<1x128xi32, #tpu.memory_space<vmem>>
        %dma_start3A_219 = tpu.memref_squeeze %dma_start3A_218 : memref<1x128xi32, #tpu.memory_space<vmem>> -> memref<128xi32, #tpu.memory_space<vmem>>
        %dma_start3A_220 = arith.constant 0 : i32
        %dma_start3A_221 = arith.constant 0 : i32
        %dma_start3A_222 = tpu.memref_slice %arg3[%dma_start3A_220, %dma_start3A_221] : memref<100000x128xf32, #tpu.memory_space<hbm>> -> memref<100000x128xf32, #tpu.memory_space<hbm>>
        tpu.enqueue_indirect_dma source(%dma_start3A_222 : memref<100000x128xf32, #tpu.memory_space<hbm>>) target(%arg6 : memref<128x128xf32, #tpu.memory_space<vmem>>) offsets(%dma_start3A_219 : memref<128xi32, #tpu.memory_space<vmem>>) semaphore(%arg11 : memref<!tpu.dma_semaphore, #tpu.memory_space<semaphore_mem>>)
      } else {
      }
      %dma_wait3A_138 = arith.constant 0 : i32
      %dma_wait3A_139 = tpu.memref_slice %arg5[%add3A_120, %dma_wait3A_138] : memref<50x128xi32, #tpu.memory_space<vmem>> -> memref<1x128xi32, #tpu.memory_space<vmem>>
      %dma_wait3A_140 = tpu.memref_squeeze %dma_wait3A_139 : memref<1x128xi32, #tpu.memory_space<vmem>> -> memref<128xi32, #tpu.memory_space<vmem>>
      %dma_wait3A_141 = arith.constant 0 : i32
      %dma_wait3A_142 = arith.constant 0 : i32
      %dma_wait3A_143 = tpu.memref_slice %arg3[%dma_wait3A_141, %dma_wait3A_142] : memref<100000x128xf32, #tpu.memory_space<hbm>> -> memref<100000x128xf32, #tpu.memory_space<hbm>>
      tpu.wait_indirect_dma semaphore(%arg13 : memref<!tpu.dma_semaphore, #tpu.memory_space<semaphore_mem>>) src(%dma_wait3A_143 : memref<100000x128xf32, #tpu.memory_space<hbm>>) dst(%arg8 : memref<128x128xf32, #tpu.memory_space<vmem>>)
      %mul3A_144 = arith.constant 128 : i32
      %mul3A_145 = arith.muli %add3A_120, %mul3A_144 : i32
      %add3A_146 = arith.addi %mul3A_2, %mul3A_145 : i32
      %dma_start3A_147 = arith.constant 0 : i32
      %dma_start3A_148 = tpu.memref_slice %arg4[%add3A_146, %dma_start3A_147] : memref<204800x128xf32, #tpu.memory_space<hbm>> -> memref<128x128xf32, #tpu.memory_space<hbm>>
      %dma_start3A_149 = arith.constant 0 : i32
      %dma_start3A_150 = tpu.memref_slice %arg4[%add3A_146, %dma_start3A_149] : memref<204800x128xf32, #tpu.memory_space<hbm>> -> memref<128x128xf32, #tpu.memory_space<hbm>>
      tpu.enqueue_dma source(%arg8 : memref<128x128xf32, #tpu.memory_space<vmem>>) target(%dma_start3A_150 : memref<128x128xf32, #tpu.memory_space<hbm>>) target_semaphore(%arg18 : memref<!tpu.dma_semaphore, #tpu.memory_space<semaphore_mem>>)
      %add3A_151 = arith.constant 3 : i32
      %add3A_152 = arith.addi %mul3A_59, %add3A_151 : i32
      %ge3A_153 = arith.constant 2 : i32
      %ge3A_154 = arith.cmpi sge, %add3A_152, %ge3A_153 : i32
      %add3A_155 = arith.constant 3 : i32
      %add3A_156 = arith.addi %add3A_152, %add3A_155 : i32
      %lt3A_157 = arith.constant 50 : i32
      %lt3A_158 = arith.cmpi slt, %add3A_156, %lt3A_157 : i32
      %and3A_159 = arith.andi %ge3A_154, %lt3A_158 : i1
      %convert_element_type3A_160 = arith.extui %and3A_159 : i1 to i32
      %cond3A_161 = arith.constant 0 : i32
      %cond3A_162 = arith.cmpi ne, %convert_element_type3A_160, %cond3A_161 : i32
      scf.if %cond3A_162 {
        %sub3A = arith.constant 2 : i32
        %sub3A_215 = arith.subi %add3A_152, %sub3A : i32
        %mul3A_216 = arith.constant 128 : i32
        %mul3A_217 = arith.muli %sub3A_215, %mul3A_216 : i32
        %add3A_218 = arith.addi %mul3A_2, %mul3A_217 : i32
        %dma_wait3A_219 = arith.constant 0 : i32
        %dma_wait3A_220 = tpu.memref_slice %arg4[%add3A_218, %dma_wait3A_219] : memref<204800x128xf32, #tpu.memory_space<hbm>> -> memref<128x128xf32, #tpu.memory_space<hbm>>
        %dma_wait3A_221 = arith.constant 0 : i32
        %dma_wait3A_222 = tpu.memref_slice %arg4[%add3A_218, %dma_wait3A_221] : memref<204800x128xf32, #tpu.memory_space<hbm>> -> memref<128x128xf32, #tpu.memory_space<hbm>>
        tpu.wait_dma2 semaphore(%arg17 : memref<!tpu.dma_semaphore, #tpu.memory_space<semaphore_mem>>) src(%arg7 : memref<128x128xf32, #tpu.memory_space<vmem>>) dst(%dma_wait3A_222 : memref<128x128xf32, #tpu.memory_space<hbm>>)
      } else {
      }
      %add3A_163 = arith.constant 3 : i32
      %add3A_164 = arith.addi %add3A_152, %add3A_163 : i32
      %lt3A_165 = arith.constant 50 : i32
      %lt3A_166 = arith.cmpi slt, %add3A_164, %lt3A_165 : i32
      %convert_element_type3A_167 = arith.extui %lt3A_166 : i1 to i32
      %cond3A_168 = arith.constant 0 : i32
      %cond3A_169 = arith.cmpi ne, %convert_element_type3A_167, %cond3A_168 : i32
      scf.if %cond3A_169 {
        %add3A_215 = arith.constant 3 : i32
        %add3A_216 = arith.addi %add3A_152, %add3A_215 : i32
        %dma_start3A_217 = arith.constant 0 : i32
        %dma_start3A_218 = tpu.memref_slice %arg5[%add3A_216, %dma_start3A_217] : memref<50x128xi32, #tpu.memory_space<vmem>> -> memref<1x128xi32, #tpu.memory_space<vmem>>
        %dma_start3A_219 = tpu.memref_squeeze %dma_start3A_218 : memref<1x128xi32, #tpu.memory_space<vmem>> -> memref<128xi32, #tpu.memory_space<vmem>>
        %dma_start3A_220 = arith.constant 0 : i32
        %dma_start3A_221 = arith.constant 0 : i32
        %dma_start3A_222 = tpu.memref_slice %arg3[%dma_start3A_220, %dma_start3A_221] : memref<100000x128xf32, #tpu.memory_space<hbm>> -> memref<100000x128xf32, #tpu.memory_space<hbm>>
        tpu.enqueue_indirect_dma source(%dma_start3A_222 : memref<100000x128xf32, #tpu.memory_space<hbm>>) target(%arg7 : memref<128x128xf32, #tpu.memory_space<vmem>>) offsets(%dma_start3A_219 : memref<128xi32, #tpu.memory_space<vmem>>) semaphore(%arg12 : memref<!tpu.dma_semaphore, #tpu.memory_space<semaphore_mem>>)
      } else {
      }
      %dma_wait3A_170 = arith.constant 0 : i32
      %dma_wait3A_171 = tpu.memref_slice %arg5[%add3A_152, %dma_wait3A_170] : memref<50x128xi32, #tpu.memory_space<vmem>> -> memref<1x128xi32, #tpu.memory_space<vmem>>
      %dma_wait3A_172 = tpu.memref_squeeze %dma_wait3A_171 : memref<1x128xi32, #tpu.memory_space<vmem>> -> memref<128xi32, #tpu.memory_space<vmem>>
      %dma_wait3A_173 = arith.constant 0 : i32
      %dma_wait3A_174 = arith.constant 0 : i32
      %dma_wait3A_175 = tpu.memref_slice %arg3[%dma_wait3A_173, %dma_wait3A_174] : memref<100000x128xf32, #tpu.memory_space<hbm>> -> memref<100000x128xf32, #tpu.memory_space<hbm>>
      tpu.wait_indirect_dma semaphore(%arg14 : memref<!tpu.dma_semaphore, #tpu.memory_space<semaphore_mem>>) src(%dma_wait3A_175 : memref<100000x128xf32, #tpu.memory_space<hbm>>) dst(%arg9 : memref<128x128xf32, #tpu.memory_space<vmem>>)
      %mul3A_176 = arith.constant 128 : i32
      %mul3A_177 = arith.muli %add3A_152, %mul3A_176 : i32
      %add3A_178 = arith.addi %mul3A_2, %mul3A_177 : i32
      %dma_start3A_179 = arith.constant 0 : i32
      %dma_start3A_180 = tpu.memref_slice %arg4[%add3A_178, %dma_start3A_179] : memref<204800x128xf32, #tpu.memory_space<hbm>> -> memref<128x128xf32, #tpu.memory_space<hbm>>
      %dma_start3A_181 = arith.constant 0 : i32
      %dma_start3A_182 = tpu.memref_slice %arg4[%add3A_178, %dma_start3A_181] : memref<204800x128xf32, #tpu.memory_space<hbm>> -> memref<128x128xf32, #tpu.memory_space<hbm>>
      tpu.enqueue_dma source(%arg9 : memref<128x128xf32, #tpu.memory_space<vmem>>) target(%dma_start3A_182 : memref<128x128xf32, #tpu.memory_space<hbm>>) target_semaphore(%arg19 : memref<!tpu.dma_semaphore, #tpu.memory_space<semaphore_mem>>)
      %add3A_183 = arith.constant 4 : i32
      %add3A_184 = arith.addi %mul3A_59, %add3A_183 : i32
      %ge3A_185 = arith.constant 2 : i32
      %ge3A_186 = arith.cmpi sge, %add3A_184, %ge3A_185 : i32
      %add3A_187 = arith.constant 3 : i32
      %add3A_188 = arith.addi %add3A_184, %add3A_187 : i32
      %lt3A_189 = arith.constant 50 : i32
      %lt3A_190 = arith.cmpi slt, %add3A_188, %lt3A_189 : i32
      %and3A_191 = arith.andi %ge3A_186, %lt3A_190 : i1
      %convert_element_type3A_192 = arith.extui %and3A_191 : i1 to i32
      %cond3A_193 = arith.constant 0 : i32
      %cond3A_194 = arith.cmpi ne, %convert_element_type3A_192, %cond3A_193 : i32
      scf.if %cond3A_194 {
        %sub3A = arith.constant 2 : i32
        %sub3A_215 = arith.subi %add3A_184, %sub3A : i32
        %mul3A_216 = arith.constant 128 : i32
        %mul3A_217 = arith.muli %sub3A_215, %mul3A_216 : i32
        %add3A_218 = arith.addi %mul3A_2, %mul3A_217 : i32
        %dma_wait3A_219 = arith.constant 0 : i32
        %dma_wait3A_220 = tpu.memref_slice %arg4[%add3A_218, %dma_wait3A_219] : memref<204800x128xf32, #tpu.memory_space<hbm>> -> memref<128x128xf32, #tpu.memory_space<hbm>>
        %dma_wait3A_221 = arith.constant 0 : i32
        %dma_wait3A_222 = tpu.memref_slice %arg4[%add3A_218, %dma_wait3A_221] : memref<204800x128xf32, #tpu.memory_space<hbm>> -> memref<128x128xf32, #tpu.memory_space<hbm>>
        tpu.wait_dma2 semaphore(%arg18 : memref<!tpu.dma_semaphore, #tpu.memory_space<semaphore_mem>>) src(%arg8 : memref<128x128xf32, #tpu.memory_space<vmem>>) dst(%dma_wait3A_222 : memref<128x128xf32, #tpu.memory_space<hbm>>)
      } else {
      }
      %add3A_195 = arith.constant 3 : i32
      %add3A_196 = arith.addi %add3A_184, %add3A_195 : i32
      %lt3A_197 = arith.constant 50 : i32
      %lt3A_198 = arith.cmpi slt, %add3A_196, %lt3A_197 : i32
      %convert_element_type3A_199 = arith.extui %lt3A_198 : i1 to i32
      %cond3A_200 = arith.constant 0 : i32
      %cond3A_201 = arith.cmpi ne, %convert_element_type3A_199, %cond3A_200 : i32
      scf.if %cond3A_201 {
        %add3A_215 = arith.constant 3 : i32
        %add3A_216 = arith.addi %add3A_184, %add3A_215 : i32
        %dma_start3A_217 = arith.constant 0 : i32
        %dma_start3A_218 = tpu.memref_slice %arg5[%add3A_216, %dma_start3A_217] : memref<50x128xi32, #tpu.memory_space<vmem>> -> memref<1x128xi32, #tpu.memory_space<vmem>>
        %dma_start3A_219 = tpu.memref_squeeze %dma_start3A_218 : memref<1x128xi32, #tpu.memory_space<vmem>> -> memref<128xi32, #tpu.memory_space<vmem>>
        %dma_start3A_220 = arith.constant 0 : i32
        %dma_start3A_221 = arith.constant 0 : i32
        %dma_start3A_222 = tpu.memref_slice %arg3[%dma_start3A_220, %dma_start3A_221] : memref<100000x128xf32, #tpu.memory_space<hbm>> -> memref<100000x128xf32, #tpu.memory_space<hbm>>
        tpu.enqueue_indirect_dma source(%dma_start3A_222 : memref<100000x128xf32, #tpu.memory_space<hbm>>) target(%arg8 : memref<128x128xf32, #tpu.memory_space<vmem>>) offsets(%dma_start3A_219 : memref<128xi32, #tpu.memory_space<vmem>>) semaphore(%arg13 : memref<!tpu.dma_semaphore, #tpu.memory_space<semaphore_mem>>)
      } else {
      }
      %dma_wait3A_202 = arith.constant 0 : i32
      %dma_wait3A_203 = tpu.memref_slice %arg5[%add3A_184, %dma_wait3A_202] : memref<50x128xi32, #tpu.memory_space<vmem>> -> memref<1x128xi32, #tpu.memory_space<vmem>>
      %dma_wait3A_204 = tpu.memref_squeeze %dma_wait3A_203 : memref<1x128xi32, #tpu.memory_space<vmem>> -> memref<128xi32, #tpu.memory_space<vmem>>
      %dma_wait3A_205 = arith.constant 0 : i32
      %dma_wait3A_206 = arith.constant 0 : i32
      %dma_wait3A_207 = tpu.memref_slice %arg3[%dma_wait3A_205, %dma_wait3A_206] : memref<100000x128xf32, #tpu.memory_space<hbm>> -> memref<100000x128xf32, #tpu.memory_space<hbm>>
      tpu.wait_indirect_dma semaphore(%arg15 : memref<!tpu.dma_semaphore, #tpu.memory_space<semaphore_mem>>) src(%dma_wait3A_207 : memref<100000x128xf32, #tpu.memory_space<hbm>>) dst(%arg10 : memref<128x128xf32, #tpu.memory_space<vmem>>)
      %mul3A_208 = arith.constant 128 : i32
      %mul3A_209 = arith.muli %add3A_184, %mul3A_208 : i32
      %add3A_210 = arith.addi %mul3A_2, %mul3A_209 : i32
      %dma_start3A_211 = arith.constant 0 : i32
      %dma_start3A_212 = tpu.memref_slice %arg4[%add3A_210, %dma_start3A_211] : memref<204800x128xf32, #tpu.memory_space<hbm>> -> memref<128x128xf32, #tpu.memory_space<hbm>>
      %dma_start3A_213 = arith.constant 0 : i32
      %dma_start3A_214 = tpu.memref_slice %arg4[%add3A_210, %dma_start3A_213] : memref<204800x128xf32, #tpu.memory_space<hbm>> -> memref<128x128xf32, #tpu.memory_space<hbm>>
      tpu.enqueue_dma source(%arg10 : memref<128x128xf32, #tpu.memory_space<vmem>>) target(%dma_start3A_214 : memref<128x128xf32, #tpu.memory_space<hbm>>) target_semaphore(%arg20 : memref<!tpu.dma_semaphore, #tpu.memory_space<semaphore_mem>>)
    }
    %scan3A_27 = arith.constant 10 : i32
    %add3A_28 = arith.constant 5760 : i32
    %add3A_29 = arith.addi %mul3A_2, %add3A_28 : i32
    %dma_wait3A = arith.constant 0 : i32
    %dma_wait3A_30 = tpu.memref_slice %arg4[%add3A_29, %dma_wait3A] : memref<204800x128xf32, #tpu.memory_space<hbm>> -> memref<128x128xf32, #tpu.memory_space<hbm>>
    %dma_wait3A_31 = arith.constant 0 : i32
    %dma_wait3A_32 = tpu.memref_slice %arg4[%add3A_29, %dma_wait3A_31] : memref<204800x128xf32, #tpu.memory_space<hbm>> -> memref<128x128xf32, #tpu.memory_space<hbm>>
    tpu.wait_dma2 semaphore(%arg16 : memref<!tpu.dma_semaphore, #tpu.memory_space<semaphore_mem>>) src(%arg6 : memref<128x128xf32, #tpu.memory_space<vmem>>) dst(%dma_wait3A_32 : memref<128x128xf32, #tpu.memory_space<hbm>>)
    %add3A_33 = arith.constant 5888 : i32
    %add3A_34 = arith.addi %mul3A_2, %add3A_33 : i32
    %dma_wait3A_35 = arith.constant 0 : i32
    %dma_wait3A_36 = tpu.memref_slice %arg4[%add3A_34, %dma_wait3A_35] : memref<204800x128xf32, #tpu.memory_space<hbm>> -> memref<128x128xf32, #tpu.memory_space<hbm>>
    %dma_wait3A_37 = arith.constant 0 : i32
    %dma_wait3A_38 = tpu.memref_slice %arg4[%add3A_34, %dma_wait3A_37] : memref<204800x128xf32, #tpu.memory_space<hbm>> -> memref<128x128xf32, #tpu.memory_space<hbm>>
    tpu.wait_dma2 semaphore(%arg17 : memref<!tpu.dma_semaphore, #tpu.memory_space<semaphore_mem>>) src(%arg7 : memref<128x128xf32, #tpu.memory_space<vmem>>) dst(%dma_wait3A_38 : memref<128x128xf32, #tpu.memory_space<hbm>>)
    %add3A_39 = arith.constant 6016 : i32
    %add3A_40 = arith.addi %mul3A_2, %add3A_39 : i32
    %dma_wait3A_41 = arith.constant 0 : i32
    %dma_wait3A_42 = tpu.memref_slice %arg4[%add3A_40, %dma_wait3A_41] : memref<204800x128xf32, #tpu.memory_space<hbm>> -> memref<128x128xf32, #tpu.memory_space<hbm>>
    %dma_wait3A_43 = arith.constant 0 : i32
    %dma_wait3A_44 = tpu.memref_slice %arg4[%add3A_40, %dma_wait3A_43] : memref<204800x128xf32, #tpu.memory_space<hbm>> -> memref<128x128xf32, #tpu.memory_space<hbm>>
    tpu.wait_dma2 semaphore(%arg18 : memref<!tpu.dma_semaphore, #tpu.memory_space<semaphore_mem>>) src(%arg8 : memref<128x128xf32, #tpu.memory_space<vmem>>) dst(%dma_wait3A_44 : memref<128x128xf32, #tpu.memory_space<hbm>>)
    %add3A_45 = arith.constant 6144 : i32
    %add3A_46 = arith.addi %mul3A_2, %add3A_45 : i32
    %dma_wait3A_47 = arith.constant 0 : i32
    %dma_wait3A_48 = tpu.memref_slice %arg4[%add3A_46, %dma_wait3A_47] : memref<204800x128xf32, #tpu.memory_space<hbm>> -> memref<128x128xf32, #tpu.memory_space<hbm>>
    %dma_wait3A_49 = arith.constant 0 : i32
    %dma_wait3A_50 = tpu.memref_slice %arg4[%add3A_46, %dma_wait3A_49] : memref<204800x128xf32, #tpu.memory_space<hbm>> -> memref<128x128xf32, #tpu.memory_space<hbm>>
    tpu.wait_dma2 semaphore(%arg19 : memref<!tpu.dma_semaphore, #tpu.memory_space<semaphore_mem>>) src(%arg9 : memref<128x128xf32, #tpu.memory_space<vmem>>) dst(%dma_wait3A_50 : memref<128x128xf32, #tpu.memory_space<hbm>>)
    %add3A_51 = arith.constant 6272 : i32
    %add3A_52 = arith.addi %mul3A_2, %add3A_51 : i32
    %dma_wait3A_53 = arith.constant 0 : i32
    %dma_wait3A_54 = tpu.memref_slice %arg4[%add3A_52, %dma_wait3A_53] : memref<204800x128xf32, #tpu.memory_space<hbm>> -> memref<128x128xf32, #tpu.memory_space<hbm>>
    %dma_wait3A_55 = arith.constant 0 : i32
    %dma_wait3A_56 = tpu.memref_slice %arg4[%add3A_52, %dma_wait3A_55] : memref<204800x128xf32, #tpu.memory_space<hbm>> -> memref<128x128xf32, #tpu.memory_space<hbm>>
    tpu.wait_dma2 semaphore(%arg20 : memref<!tpu.dma_semaphore, #tpu.memory_space<semaphore_mem>>) src(%arg10 : memref<128x128xf32, #tpu.memory_space<vmem>>) dst(%dma_wait3A_56 : memref<128x128xf32, #tpu.memory_space<hbm>>)
    return
  }
}

</mosaic_0001>

<sc_bundles>
// kernel: _lookup.3.cloned.1.call-start
scs
__scs_entry_jumppad:
0x0: {  	(pc) =	sbr.rel $0x88, $3  }
0x1: {  	(tag) =	ssettag $0x0;
	lr =	simm.s32 $0x1  }
0x2: {  	[smem:$0x3F9F] =	sst lr;
	_ =	strace $0xD0000000  }
0x3: {  	_ = 	snop  }
0x4: {  	_ = 	snop  }
0x5: {  	_ = 	snop  }
0x6: {  	_ = 	snop  }
0x7: {  	_ = 	snop  }
__scs_overlays_trampoline_lowered:
0x8: {  	[smem:$0x3FAE] =	sst s0  }
0x9: {  	[smem:$0x3FAF] =	sst s1  }
0xa: {  	[smem:$0x3FB0] =	sst s2  }
0xb: {  	[smem:$0x3FB1] =	sst s3  }
0xc: {  	[smem:$0x3FB2] =	sst s4  }
0xd: {  	[smem:$0x3FB3] =	sst s5  }
0xe: {  	[smem:$0x3FB4] =	sst s6  }
0xf: {  	[smem:$0x3FB5] =	sst s7  }
0x10: {  	[smem:$0x3FB6] =	sst s8  }
0x11: {  	[smem:$0x3FB7] =	sst s9;
	s0 =	simm.s32 @!p0 $0x0  }
0x12: {  	s1 =	sld [smem:$0x3F9D];
	s0 =	simm.s32 @p0 $0x1  }
0x13: {  	[smem:$0x3FB8] =	sst s0;
	s0 =	simm.s32 @!p1 $0x0  }
0x14: {  	s2 =	sld [smem:$0x3F9C];
	s0 =	simm.s32 @p1 $0x1  }
0x15: {  	[smem:$0x3FB9] =	sst s0;
	s0 =	simm.s32 @!p2 $0x0  }
0x16: {  	s3 =	sld [smem:$0x3FDB];
	s0 =	simm.s32 @p2 $0x1  }
0x17: {  	s4 =	simm.s32 $0x1BF5;
	[smem:$0x3FBB] =	sst s0  }
0x18: {  	s0 =	sld [smem:$0x3F9E];
	_ =	swait.ge [sflag:s4], $0x0  }
0x19: {  	s7 =	sld [smem:$0x3F9F]  }
0x1a: {  	s8 =	sadd.s32 $0xFFFFE003, lr  }
0x1b: {  	s9 =	sadd.s32 $0xFFFFFEF7, lr;
	s5 =	simm.s32 $0xFFFFFFFF;
	p2 =	slt.u32 s8, $0xFFFFF086  }
0x1c: {  	p1 =	slt.u32 s9, $0xF7A;
	s5 =	simm.s32 @!p2 $0x0  }
0x1d: {  	s5 =	simm.s32 @p1 $0x1;
	p0 =	seq.s32 s7, s2  }
0x1e: {  	s7 =	smul.u32 @!p0 $0xF7A, s2;
	p2 =	seq.s32 @!p0 s5, $0x0  }
0x1f: {  	s9 =	smul.u32 $0xF7A, s1;
	s8 =	simm.s32 @!p0 $0x1BF5;
	p2 =	por !p2, p0  }
0x20: {  	[sflag:s8] =	ssyncset.s32 @!p0 $0xFFFFF086;
	s6 =	sadd.s32 @!p0 s3, s7;
	s7 =	simm.s32 @!p0 $0x108  }
0x21: {  	s3 =	sadd.s32 s3, s9;
	s6 =	sadd.s32 @!p0 $0x88, s6;
	s7 =	simm.s32 @p2 $0x1082  }
0x22: {  	[simem:s7], [sflag:s8] =	dma.local @!p0 [hbm:s6], $0xF7A  }
0x23: {  	s9 =	sor.u32 $0xD0000000, s2;
	s6 =	simm.s32 $0x108;
	_ =	swait.ge @!p0 [sflag:s8], $0x0  }
0x24: {  	s3 =	sadd.s32 $0x88, s3;
	s6 =	simm.s32 @!p1 $0x1082;
	[sflag:s4] =	ssyncset.s32 $0xFFFFF086  }
0x25: {  	[simem:s6], [sflag:s4] =	dma.local [hbm:s3], $0xF7A  }
0x26: {  	[smem:$0x3F9F] =	sst s1;
	(tag) =	ssettag s2;
	_ =	strace s9  }
0x27: {  	s1 =	sld [smem:$0x3FAF]  }
0x28: {  	s2 =	sld [smem:$0x3FB0]  }
0x29: {  	s4 =	sld [smem:$0x3FB2]  }
0x2a: {  	p0 =	seq.s32 s5, $0x0;
	s5 =	sld [smem:$0x3FB3]  }
0x2b: {  	s6 =	sld [smem:$0x3FB4]  }
0x2c: {  	s7 =	sld [smem:$0x3FB5]  }
0x2d: {  	s3 =	simm.s32 $0x108;
	s8 =	sld [smem:$0x3FB6]  }
0x2e: {  	s3 =	simm.s32 @!p0 $0x1082;
	s9 =	sld [smem:$0x3FB7]  }
0x2f: {  	lr =	sadd.s32 s0, s3;
	s0 =	sld [smem:$0x3FAE]  }
0x30: {  	s3 =	sld [smem:$0x3FB1]  }
0x31: {  	[smem:$0x3FBA] =	sst s10  }
0x32: {  	s10 =	sld [smem:$0x3FB8];
	_ =	sdelay $0x3  }
0x33: {  	p0 =	seq.s32 s10, $0x1;
	s10 =	sld [smem:$0x3FBA];
	_ =	sdelay $0x3  }
0x34: {  	[smem:$0x3FBA] =	sst s10  }
0x35: {  	s10 =	sld [smem:$0x3FB9];
	_ =	sdelay $0x3  }
0x36: {  	p1 =	seq.s32 s10, $0x1;
	s10 =	sld [smem:$0x3FBA];
	_ =	sdelay $0x3  }
0x37: {  	[smem:$0x3FBA] =	sst s10  }
0x38: {  	s10 =	sld [smem:$0x3FBB]  }
0x39: {  	_ = 	snop;
	(pc) =	sbr.ind lr, $3  }
0x3a: {  	_ = 	snop  }
0x3b: {  	_ = 	snop  }
0x3c: {  	p2 =	seq.s32 s10, $0x1;
	s10 =	sld [smem:$0x3FBA]  }
0x3d: {  	_ =	shalt  }
0x3e: {  	_ =	shalt  }
0x3f: {  	_ =	shalt  }
0x40: {  	_ =	shalt  }
0x41: {  	_ =	shalt  }
0x42: {  	_ =	shalt  }
0x43: {  	_ =	shalt  }
0x44: {  	_ =	shalt  }
0x45: {  	_ =	shalt  }
0x46: {  	_ =	shalt  }
0x47: {  	_ =	shalt  }
0x48: {  	_ =	shalt  }
0x49: {  	_ =	shalt  }
0x4a: {  	_ =	shalt  }
0x4b: {  	_ =	shalt  }
0x4c: {  	_ =	shalt  }
0x4d: {  	_ =	shalt  }
0x4e: {  	_ =	shalt  }
0x4f: {  	_ =	shalt  }
0x50: {  	_ =	shalt  }
0x51: {  	_ =	shalt  }
0x52: {  	_ =	shalt  }
0x53: {  	_ =	shalt  }
0x54: {  	_ =	shalt  }
0x55: {  	_ =	shalt  }
0x56: {  	_ =	shalt  }
0x57: {  	_ =	shalt  }
0x58: {  	_ =	shalt  }
0x59: {  	_ =	shalt  }
0x5a: {  	_ =	shalt  }
0x5b: {  	_ =	shalt  }
0x5c: {  	_ =	shalt  }
0x5d: {  	_ =	shalt  }
0x5e: {  	_ =	shalt  }
0x5f: {  	_ =	shalt  }
0x60: {  	_ =	shalt  }
0x61: {  	_ =	shalt  }
0x62: {  	_ =	shalt  }
0x63: {  	_ =	shalt  }
0x64: {  	_ =	shalt  }
0x65: {  	_ =	shalt  }
0x66: {  	_ =	shalt  }
0x67: {  	_ =	shalt  }
0x68: {  	_ =	shalt  }
0x69: {  	_ =	shalt  }
0x6a: {  	_ =	shalt  }
0x6b: {  	_ =	shalt  }
0x6c: {  	_ =	shalt  }
0x6d: {  	_ =	shalt  }
0x6e: {  	_ =	shalt  }
0x6f: {  	_ =	shalt  }
0x70: {  	_ =	shalt  }
0x71: {  	_ =	shalt  }
0x72: {  	_ =	shalt  }
0x73: {  	_ =	shalt  }
0x74: {  	_ =	shalt  }
0x75: {  	_ =	shalt  }
0x76: {  	_ =	shalt  }
0x77: {  	_ =	shalt  }
0x78: {  	_ =	shalt  }
0x79: {  	_ =	shalt  }
0x7a: {  	_ =	shalt  }
0x7b: {  	_ =	shalt  }
0x7c: {  	_ =	shalt  }
0x7d: {  	_ =	shalt  }
0x7e: {  	_ =	shalt  }
0x7f: {  	_ =	shalt  }
0x80: {  	_ =	shalt  }
0x81: {  	_ =	shalt  }
0x82: {  	_ =	shalt  }
0x83: {  	_ =	shalt  }
0x84: {  	_ =	shalt  }
0x85: {  	_ =	shalt  }
0x86: {  	_ =	shalt  }
0x87: {  	_ =	shalt  }
.Lfunc_end0:
.L_simem_size_0:
called_computation_lowered:
.L_overlay_start_0:
0x88: {  	s2 =	sld [smem:$0x3FD9]  }
0x89: {  	s3 =	sld [smem:$0x3FFE];
	_ =	sdelay $0x1  }
0x8a: {  	s1 =	srdreg.scid  }
0x8b: {  	s0 =	sand.u32 $0x1, s1  }
0x8c: {  	s17 =	sshll.u32 s0, $0xA;
	s2 =	sadd.s32 s3, s2  }
0x8d: {  	s2 =	sadd.s32 s2, s17  }
0x8e: {  	[smem:$0x3FC6] =	sst s2  }
0x8f: {  	_ = 	snop  }
0x90: {  	s2 =	sld [smem:$0x3FC8]  }
0x91: {  	s18 =	sld [smem:$0x3FD0];
	(tm) =	ssettm $0x1  }
0x92: {  	s4 =	sld [smem:$0x3FFB];
	_ =	sdelay $0x3  }
0x93: {  	_ =	strace s4  }
0x94: {  	s4 =	sld [smem:$0x3FFC];
	_ =	sdelay $0x3  }
0x95: {  	_ =	strace s4  }
0x96: {  	s4 =	sld [smem:$0x3FFD];
	_ =	sdelay $0x3  }
0x97: {  	_ =	strace s4  }
0x98: {  	_ =	strace $0x8FFFFFFF  }
0x99: {  	s19 =	sld [smem:$0x3FDB];
	_ =	sdelay $0x1  }
0x9a: {  	s5 =	simm.s32 $_scs_section_size  }
0x9b: {  	s6 =	simm.s32 $_size__tile_overlayer_lowered;
	s7 =	simm.s32 $_tile_overlayer_lowered  }
0x9c: {  	s22 =	simm.s32 $0x1BFF;
	s21 =	sshll.u32 s7, $0x1;
	s4 =	sadd.s32 s5, s19  }
0x9d: {  	s8 =	simm.s32 $0x0;
	s20 =	sshll.u32 s6, $0x1;
	s6 =	sadd.s32 s21, s4  }
0x9e: {  	[timem:s8], [sflag:s22] =	dma.local [hbm:s6], s20  }
0x9f: {  	_ =	swait.ge [sflag:s22], s20  }
0xa0: {  	s5 =	ssub.s32 $0x0, s20;
	[sflag:s22] =	ssyncset.done $0x0  }
0xa1: {  	[sflag:s22] =	ssyncadd.s32 s5;
	_ =	sdelay $0x1  }
0xa2: {  	s23 =	simm.s32 $0x1B8B  }
0xa3: {  	_ =	swait.ge [sflag:s23], $0x1  }
0xa4: {  	[sflag:s23] =	ssyncset.done $0x0  }
0xa5: {  	s25 =	simm.s32 $0x1B8E;
	s24 =	sld [smem:$0x3FFE];
	[sflag:s23] =	ssyncadd.s32 $0xFFFFFFFF  }
0xa6: {  	s26 =	simm.s32 $execute0_lowered;
	[smem:$0x3FD2] =	sst s25  }
0xa7: {  	s6 =	sshll.u32 s26, $0x1;
	_ =	strace $0x80000046;
	[dreg:$0x1] =	wrdreg $0xFFFFFFFF  }
0xa8: {  	s28 =	simm.s32 $_size_execute0_lowered;
	s4 =	sadd.s32 s4, s6;
	[dreg:$0x0] =	wrdreg $0x0  }
0xa9: {  	s6 =	sshll.u32 s28, $0x1;
	[dreg:$0x2] =	wrdreg s4  }
0xaa: {  	[dreg:$0x3] =	wrdreg s6  }
0xab: {  	[dreg:$0x4] =	wrdreg $0xC0  }
0xac: {  	_ =	task [dreg:s8], $0x5FFFF  }
0xad: {  	[dreg:$0x1] =	wrdreg $0xFFFFFFFF  }
0xae: {  	[dreg:$0x0] =	wrdreg $0x60  }
0xaf: {  	[dreg:$0x2] =	wrdreg s24  }
0xb0: {  	[dreg:$0x3] =	wrdreg s2  }
0xb1: {  	[dreg:$0x4] =	wrdreg s18  }
0xb2: {  	[dreg:$0x5] =	wrdreg $0x9  }
0xb3: {  	_ =	task.clear_ibuf [dreg:s8], $0x6FFFF;
	_ =	strace $0x90000046  }
0xb4: {  	s29 =	simm.s32 $0x9;
	_ =	strace $0x80000048  }
0xb5: {  	_ =	swait.ge [sflag:s29], $0x1  }
0xb6: {  	[sflag:s29] =	ssyncadd.s32 $0xFFFFFFFF  }
0xb7: {  	_ =	strace $0x90000048  }
0xb8: {  	_ =	sfence  }
0xb9: {  	s30 =	sld [smem:$0x0];
	_ =	sdelay $0x2  }
0xba: {  	s31 =	sshll.u32 s1, $0xD;
	s1 =	sshrl.u32 s1, $0x2  }
0xbb: {  	s3 =	sand.u32 $0x4000, s31;
	s1 =	sadd.s32 s1, s30  }
0xbc: {  	s0 =	sor.u32 s3, s0;
	s1 =	sshll.u32 s1, $0x11  }
0xbd: {  	s0 =	sor.u32 s1, s0  }
0xbe: {  	s0 =	sadd.s32 $0x8F2B, s0  }
0xbf: {  	[sflag:s0] =	ssyncadd.remote.s32 $0x1  }
0xc0: {  	_ =	sfence.sel $0xFFFF  }
0xc1: {  	[dreg:$0x0] =	wrdreg $0xFFFFFFFF;
	(pc) =	sbr.abs _section_cstart, $3  }
0xc2: {  	[dreg:$0x1] =	wrdreg $0xFFFFFFFF  }
0xc3: {  	_ =	task.clear_ibuf [dreg:s8], $0x2FFFF;
	_ =	strace $0x9FFFFFFF  }
0xc4: {  	(tm) =	ssettm $0x7FFFFFFF  }
0xc5: {  	_ =	shalt  }
tec
execute0_lowered:
.L_overlay_start_1:
0x0: {  	(tag) =	ssettag $0x1  }
0x1: {  	s0 =	rddreg [dreg:$0x0]  }
0x2: {  	s1 =	srdreg.scid;
	s2 =	rddreg [dreg:$0x1]  }
0x3: {  	s11 =	stileid.u32;
	s8 =	rddreg [dreg:$0x2]  }
0x4: {  	s12 =	simm.s32 $0x80;
	s13 =	simm.s32 $0x1C00;
	s14 =	simm.s32 $0x5C00  }
0x5: {  	s18 =	simm.s32 $0xDC00;
	s19 =	simm.s32 $0x1;
	s20 =	simm.s32 $0x11C00  }
0x6: {  	s21 =	simm.s32 $0x2;
	s22 =	simm.s32 $0x4;
	s7 =	smul.u32 $0x32000, s11  }
0x7: {  	s30 =	simm.s32 $0x0;
	s1 =	sand.u32 $0x1, s1;
	s23 =	smul.u32 $0x190000, s11  }
0x8: {  	s3 =	sshll.u32 s11, $0x1;
	s11 =	simm.s32 $0xB;
	s10 =	smul.u32 $0x19000, s1  }
0x9: {  	s4 =	sor.u32 s1, s3;
	s3 =	simm.s32 $0x0;
	s24 =	smul.u32 $0xC8000, s1  }
0xa: {  	s6 =	ssub.s32 $0x2, s1;
	s5 =	smul.u32 $0x1C00, s4;
	[smem:$0x7FF] =	sst s3  }
0xb: {  	s4 =	smul.u32 $0x19000, s4;
	s9 =	sshrl.u32 s6, $0x1;
	s28 =	sadd.s32 s7, s8  }
0xc: {  	_ =	strace $0x80000047;
	s6 =	ssub.s32 s6, s9;
	s5 =	sshrl.u32 s5, $0x3  }
0xd: {  	s25 =	smax.u32 s6, $0x1;
	s26 =	sadd.s32 s8, s4;
	s4 =	sadd.s32 s10, s28  }
0xe: {  	s0 =	sadd.s32 s5, s0;
	[dreg:$0x7] =	wrdreg s25;
	s1 =	sadd.s32 $0x17800, s26  }
0xf: {  	s5 =	sadd.s32 $0x400, s0;
	s0 =	sadd.s32 $0x480, s0;
	[dreg:$0x4] =	wrdreg s1  }
0x10: {  	s7 =	sadd.s32 $0x1000, s4;
	[dreg:$0x6] =	wrdreg s0;
	s0 =	sadd.s32 s24, s23  }
0x11: {  	[dreg:$0x5] =	wrdreg s5;
	s29 =	sadd.s32 $0x10000, s0;
	s9 =	sadd.s32 $0xC000, s0  }
0x12: {  	s0 =	sor.u32 $0x4000, s0;
	s1 =	sshrl.u32 s29, $0x3;
	s31 =	sshrl.u32 s9, $0x3  }
0x13: {  	s0 =	sshrl.u32 s0, $0x3;
	s4 =	sadd.s32 s1, s8;
	s1 =	sadd.s32 s31, s8  }
0x14: {  	s23 =	simm.s32 $0x5;
	s10 =	sadd.s32 s0, s8;
	[dreg:$0x8] =	wrdreg s1  }
.LBB2_1:
0x15: {  	s0 =	rddreg [dreg:$0x5]  }
0x16: {  	[tilespmem:s3], [sflag:$0xB] =	stream.linear.gather [hbm4b:s0+s3], $0x400, $0x38;
	[tilespmem:$0x15C00] =	vst v63  }
0x17: {  	_ =	swait.ge [sflag:s11], $0x400  }
0x18: {  	[sflag:s11] =	ssyncset.done $0x0  }
0x19: {  	[sflag:s11] =	ssyncadd.s32 $0xFFFFFC00  }
0x1a: {  	[tilespmem:s13], [sflag:$0x1] =	stream.indirect.gather [hbm4b:s2+s12], $0x80, s3, s12, $0xb8;
	[tilespmem:$0x15C00] =	vst v63  }
0x1b: {  	_ = 	snop  }
0x1c: {  	[tilespmem:s14], [sflag:$0x2] =	stream.indirect.gather [hbm4b:s2+s12], $0x80, s12, s12, $0xb8;
	[tilespmem:$0x15C00] =	vst v63  }
0x1d: {  	s17 =	simm.s32 $0x100;
	s1 =	simm.s32 $0x9C00  }
0x1e: {  	[tilespmem:s1], [sflag:$0x3] =	stream.indirect.gather [hbm4b:s2+s12], $0x80, s17, s12, $0xb8;
	[tilespmem:$0x15C00] =	vst v63  }
0x1f: {  	s25 =	simm.s32 $0x400;
	s24 =	rddreg [dreg:$0x6]  }
0x20: {  	[tilespmem:s25], [sflag:$0xB] =	stream.linear.gather [hbm4b:s24+s3], $0x1500, $0x38;
	[tilespmem:$0x15C00] =	vst v63  }
0x21: {  	_ =	swait.ge [sflag:s11], $0x1500  }
0x22: {  	p0 =	por $0x1, $0x1;
	[sflag:s11] =	ssyncset.done $0x0  }
0x23: {  	s0 =	simm.s32 @!p0 $0x9;
	[sflag:s11] =	ssyncadd.s32 $0xFFFFEB00  }
0x24: {  	_ =	swait.ge @!p0 [sflag:s0], $0x4000  }
0x25: {  	[sflag:s0] =	ssyncset.done @!p0 $0x0  }
0x26: {  	s26 =	simm.s32 $0x180;
	[sflag:s0] =	ssyncadd.s32 @!p0 $0xFFFFC000  }
0x27: {  	[tilespmem:s18], [sflag:$0x4] =	stream.indirect.gather [hbm4b:s2+s12], $0x80, s26, s12, $0xb8;
	[tilespmem:$0x15C00] =	vst v63  }
0x28: {  	_ =	swait.ge [sflag:s19], $0x4000  }
0x29: {  	[sflag:s19] =	ssyncset.done $0x0  }
0x2a: {  	s28 =	sadd.s32 $0xFFFFF000, s7;
	s1 =	simm.s32 @!p0 $0xA;
	[sflag:s19] =	ssyncadd.s32 $0xFFFFC000  }
0x2b: {  	[hbm4b:s28+s3] =	stream.linear.scatter [tilespmem:s13], [sflag:$0x6], $0x4000, $0x38;
	[tilespmem:$0x15C00] =	vst v63  }
0x2c: {  	_ =	swait.ge @!p0 [sflag:s1], $0x4000  }
0x2d: {  	[sflag:s1] =	ssyncset.done @!p0 $0x0  }
0x2e: {  	s29 =	simm.s32 $0x200;
	[sflag:s1] =	ssyncadd.s32 @!p0 $0xFFFFC000  }
0x2f: {  	[tilespmem:s20], [sflag:$0x5] =	stream.indirect.gather [hbm4b:s2+s12], $0x80, s29, s12, $0xb8;
	[tilespmem:$0x15C00] =	vst v63  }
0x30: {  	_ =	swait.ge [sflag:s21], $0x4000  }
0x31: {  	p0 =	por $0x0, $0x0;
	[sflag:s21] =	ssyncset.done $0x0  }
0x32: {  	s0 =	simm.s32 @p0 $0x3;
	[sflag:s21] =	ssyncadd.s32 $0xFFFFC000  }
0x33: {  	[hbm4b:s10+s3] =	stream.linear.scatter [tilespmem:s14], [sflag:$0x7], $0x4000, $0x38;
	[tilespmem:$0x15C00] =	vst v63  }
0x34: {  	_ =	swait.ge @p0 [sflag:s0], $0x4000  }
0x35: {  	s8 =	simm.s32 @p0 $0x9C00;
	s15 =	simm.s32 @!p0 $0x6;
	[sflag:s0] =	ssyncset.done @p0 $0x0  }
0x36: {  	s1 =	rddreg [dreg:$0x4];
	[sflag:s0] =	ssyncadd.s32 @p0 $0xFFFFC000;
	s0 =	simm.s32 @p0 $0x0  }
0x37: {  	[hbm4b:s1+s0] =	stream.linear.scatter @p0 [tilespmem:s8], [sflag:$0x8], $0x4000, $0x38;
	[tilespmem:$0x15C00] =	vst v63  }
0x38: {  	_ =	swait.ge @!p0 [sflag:s15], $0x4000  }
0x39: {  	s0 =	simm.s32 @!p0 $0x280;
	s1 =	simm.s32 @!p0 $0x80;
	[sflag:s15] =	ssyncset.done @!p0 $0x0  }
0x3a: {  	s8 =	simm.s32 @!p0 $0x1C00;
	[sflag:s15] =	ssyncadd.s32 @!p0 $0xFFFFC000;
	s15 =	simm.s32 @!p0 $0x3  }
0x3b: {  	[tilespmem:s8], [sflag:$0x1] =	stream.indirect.gather @!p0 [hbm4b:s2+s1], $0x80, s0, s1, $0xb8;
	[tilespmem:$0x15C00] =	vst v63  }
0x3c: {  	_ =	swait.ge @!p0 [sflag:s15], $0x4000  }
0x3d: {  	s0 =	simm.s32 @!p0 $0x0;
	[sflag:s15] =	ssyncset.done @!p0 $0x0  }
0x3e: {  	s8 =	simm.s32 @!p0 $0x9C00;
	[sflag:s15] =	ssyncadd.s32 @!p0 $0xFFFFC000;
	s15 =	simm.s32 @!p0 $0x7  }
0x3f: {  	[hbm4b:s7+s0] =	stream.linear.scatter @!p0 [tilespmem:s8], [sflag:$0x8], $0x4000, $0x38;
	[tilespmem:$0x15C00] =	vst v63  }
0x40: {  	_ =	swait.ge @!p0 [sflag:s15], $0x4000  }
0x41: {  	[sflag:s15] =	ssyncset.done @!p0 $0x0  }
0x42: {  	s16 =	simm.s32 @!p0 $0x5C00;
	s0 =	simm.s32 @!p0 $0x300;
	[sflag:s15] =	ssyncadd.s32 @!p0 $0xFFFFC000  }
0x43: {  	[tilespmem:s16], [sflag:$0x2] =	stream.indirect.gather @!p0 [hbm4b:s2+s1], $0x80, s0, s1, $0xb8;
	[tilespmem:$0x15C00] =	vst v63  }
0x44: {  	_ =	swait.ge [sflag:s22], $0x4000  }
0x45: {  	[sflag:s22] =	ssyncset.done $0x0  }
0x46: {  	s0 =	simm.s32 @!p0 $0x8;
	s5 =	rddreg [dreg:$0x8];
	[sflag:s22] =	ssyncadd.s32 $0xFFFFC000  }
0x47: {  	[hbm4b:s5+s3] =	stream.linear.scatter [tilespmem:s18], [sflag:$0x9], $0x4000, $0x38;
	[tilespmem:$0x15C00] =	vst v63  }
0x48: {  	_ =	swait.ge @!p0 [sflag:s0], $0x4000  }
0x49: {  	s31 =	sadd.s32 $0x2800, s4;
	p1 =	por $0x0, $0x0;
	[sflag:s0] =	ssyncset.done @!p0 $0x0  }
0x4a: {  	s17 =	simm.s32 $0x1400;
	s15 =	simm.s32 @!p0 $0x380;
	[sflag:s0] =	ssyncadd.s32 @!p0 $0xFFFFC000  }
0x4b: {  	[tilespmem:s8], [sflag:$0x3] =	stream.indirect.gather @!p0 [hbm4b:s2+s1], $0x80, s15, s1, $0xb8;
	[tilespmem:$0x15C00] =	vst v63  }
0x4c: {  	s16 =	simm.s32 $0xA00;
	s0 =	sadd.s32 $0x2800, s7;
	s15 =	sadd.s32 $0x2800, s10  }
0x4d: {  	s1 =	sadd.s32 $0x2800, s5;
	s8 =	smov.u32 s4;
	_ =	swait.ge [sflag:s23], $0x4000  }
.LBB2_2:
0x4e: {  	[sflag:s23] =	ssyncset.done $0x0  }
0x4f: {  	s5 =	simm.s32 @!p1 $0x9;
	[sflag:s23] =	ssyncadd.s32 $0xFFFFC000  }
0x50: {  	[hbm4b:s8+s3] =	stream.linear.scatter [tilespmem:s20], [sflag:$0xA], $0x4000, $0x38;
	[tilespmem:$0x15C00] =	vst v63  }
0x51: {  	_ =	swait.ge @!p1 [sflag:s5], $0x4000  }
0x52: {  	s24 =	sshra.s32 s16, $0x2;
	[sflag:s5] =	ssyncset.done @!p1 $0x0  }
0x53: {  	s25 =	sadd.s32 $0x180, s24;
	[sflag:s5] =	ssyncadd.s32 @!p1 $0xFFFFC000  }
0x54: {  	[tilespmem:s18], [sflag:$0x4] =	stream.indirect.gather [hbm4b:s2+s12], $0x80, s25, s12, $0xb8;
	[tilespmem:$0x15C00] =	vst v63  }
0x55: {  	_ =	swait.ge [sflag:s19], $0x4000  }
0x56: {  	[sflag:s19] =	ssyncset.done $0x0  }
0x57: {  	s28 =	sadd.s32 $0xFFFFF000, s0;
	s25 =	simm.s32 @!p1 $0xA;
	[sflag:s19] =	ssyncadd.s32 $0xFFFFC000  }
0x58: {  	[hbm4b:s28+s3] =	stream.linear.scatter [tilespmem:s13], [sflag:$0x6], $0x4000, $0x38;
	[tilespmem:$0x15C00] =	vst v63  }
0x59: {  	_ =	swait.ge @!p1 [sflag:s25], $0x4000  }
0x5a: {  	[sflag:s25] =	ssyncset.done @!p1 $0x0  }
0x5b: {  	s29 =	sadd.s32 $0x200, s24;
	[sflag:s25] =	ssyncadd.s32 @!p1 $0xFFFFC000  }
0x5c: {  	[tilespmem:s20], [sflag:$0x5] =	stream.indirect.gather [hbm4b:s2+s12], $0x80, s29, s12, $0xb8;
	[tilespmem:$0x15C00] =	vst v63  }
0x5d: {  	_ =	swait.ge [sflag:s21], $0x4000  }
0x5e: {  	p1 =	seq.s32 s16, $0x5A00;
	[sflag:s21] =	ssyncset.done $0x0  }
0x5f: {  	s6 =	smov.u32 s17;
	s5 =	simm.s32 @p1 $0x3;
	[sflag:s21] =	ssyncadd.s32 $0xFFFFC000  }
0x60: {  	[hbm4b:s15+s3] =	stream.linear.scatter [tilespmem:s14], [sflag:$0x7], $0x4000, $0x38;
	[tilespmem:$0x15C00] =	vst v63  }
0x61: {  	s16 =	sshra.s32 @!p1 s16, $0x2;
	s29 =	simm.s32 @p1 $0x9C00;
	_ =	swait.ge @p1 [sflag:s5], $0x4000  }
0x62: {  	s9 =	simm.s32 @!p1 $0x6;
	s24 =	sadd.s32 @!p1 $0x280, s16;
	[sflag:s5] =	ssyncset.done @p1 $0x0  }
0x63: {  	s26 =	rddreg [dreg:$0x4];
	[sflag:s5] =	ssyncadd.s32 @p1 $0xFFFFC000;
	s5 =	simm.s32 @p1 $0x0  }
0x64: {  	[hbm4b:s26+s5] =	stream.linear.scatter @p1 [tilespmem:s29], [sflag:$0x8], $0x4000, $0x38;
	[tilespmem:$0x15C00] =	vst v63  }
0x65: {  	s25 =	sadd.s32 @!p1 $0x300, s16;
	s28 =	sadd.s32 @!p1 $0x380, s16;
	_ =	swait.ge @!p1 [sflag:s9], $0x4000  }
0x66: {  	s16 =	smov.u32 s6;
	s6 =	simm.s32 @!p1 $0x1C00;
	[sflag:s9] =	ssyncset.done @!p1 $0x0  }
0x67: {  	s5 =	simm.s32 @!p1 $0x80;
	[sflag:s9] =	ssyncadd.s32 @!p1 $0xFFFFC000;
	s9 =	simm.s32 @!p1 $0x3  }
0x68: {  	[tilespmem:s6], [sflag:$0x1] =	stream.indirect.gather @!p1 [hbm4b:s2+s5], $0x80, s24, s5, $0xb8;
	[tilespmem:$0x15C00] =	vst v63  }
0x69: {  	_ =	swait.ge @!p1 [sflag:s9], $0x4000  }
0x6a: {  	s6 =	simm.s32 @!p1 $0x0;
	[sflag:s9] =	ssyncset.done @!p1 $0x0  }
0x6b: {  	s24 =	simm.s32 @!p1 $0x9C00;
	[sflag:s9] =	ssyncadd.s32 @!p1 $0xFFFFC000;
	s9 =	simm.s32 @!p1 $0x7  }
0x6c: {  	[hbm4b:s0+s6] =	stream.linear.scatter @!p1 [tilespmem:s24], [sflag:$0x8], $0x4000, $0x38;
	[tilespmem:$0x15C00] =	vst v63  }
0x6d: {  	_ =	swait.ge @!p1 [sflag:s9], $0x4000  }
0x6e: {  	[sflag:s9] =	ssyncset.done @!p1 $0x0  }
0x6f: {  	s6 =	simm.s32 @!p1 $0x5C00;
	[sflag:s9] =	ssyncadd.s32 @!p1 $0xFFFFC000  }
0x70: {  	[tilespmem:s6], [sflag:$0x2] =	stream.indirect.gather @!p1 [hbm4b:s2+s5], $0x80, s25, s5, $0xb8;
	[tilespmem:$0x15C00] =	vst v63  }
0x71: {  	_ =	swait.ge [sflag:s22], $0x4000  }
0x72: {  	s17 =	sadd.s32 $0xA00, s17;
	[sflag:s22] =	ssyncset.done $0x0  }
0x73: {  	p0 =	sne.s32 s17, $0x6400;
	s6 =	simm.s32 @!p1 $0x8;
	[sflag:s22] =	ssyncadd.s32 $0xFFFFC000  }
0x74: {  	[hbm4b:s1+s3] =	stream.linear.scatter [tilespmem:s18], [sflag:$0x9], $0x4000, $0x38;
	[tilespmem:$0x15C00] =	vst v63  }
.Ltmp0:
0x75: {  	_ =	swait.ge @!p1 [sflag:s6], $0x4000;
	(pc) =	sbr.rel @p0 .LBB2_2-.Ltmp0, $4  }
0x76: {  	s8 =	smov.u32 s31;
	s31 =	sadd.s32 $0x2800, s31;
	[sflag:s6] =	ssyncset.done @!p1 $0x0  }
0x77: {  	s15 =	sadd.s32 $0x2800, s15;
	s0 =	sadd.s32 $0x2800, s0;
	[sflag:s6] =	ssyncadd.s32 @!p1 $0xFFFFC000  }
0x78: {  	[tilespmem:s24], [sflag:$0x3] =	stream.indirect.gather @!p1 [hbm4b:s2+s5], $0x80, s28, s5, $0xb8;
	[tilespmem:$0x15C00] =	vst v63  }
0x79: {  	s1 =	sadd.s32 $0x2800, s1;
	p1 =	seq.s32 s16, $0x0;
	_ =	swait.ge [sflag:s23], $0x4000  }
0x7a: {  	[sflag:s23] =	ssyncset.done $0x0  }
0x7b: {  	s5 =	simm.s32 @!p1 $0x9;
	[sflag:s23] =	ssyncadd.s32 $0xFFFFC000  }
0x7c: {  	[hbm4b:s8+s3] =	stream.linear.scatter [tilespmem:s20], [sflag:$0xA], $0x4000, $0x38;
	[tilespmem:$0x15C00] =	vst v63  }
0x7d: {  	_ =	swait.ge @!p1 [sflag:s5], $0x4000  }
0x7e: {  	s6 =	sshra.s32 s16, $0x2;
	[sflag:s5] =	ssyncset.done @!p1 $0x0  }
0x7f: {  	s9 =	sadd.s32 $0x180, s6;
	[sflag:s5] =	ssyncadd.s32 @!p1 $0xFFFFC000  }
0x80: {  	[tilespmem:s18], [sflag:$0x4] =	stream.indirect.gather [hbm4b:s2+s12], $0x80, s9, s12, $0xb8;
	[tilespmem:$0x15C00] =	vst v63  }
0x81: {  	_ =	swait.ge [sflag:s19], $0x4000  }
0x82: {  	[sflag:s19] =	ssyncset.done $0x0  }
0x83: {  	s17 =	sadd.s32 $0xFFFFF000, s0;
	s5 =	simm.s32 @!p1 $0xA;
	[sflag:s19] =	ssyncadd.s32 $0xFFFFC000  }
0x84: {  	[hbm4b:s17+s3] =	stream.linear.scatter [tilespmem:s13], [sflag:$0x6], $0x4000, $0x38;
	[tilespmem:$0x15C00] =	vst v63  }
0x85: {  	_ =	swait.ge @!p1 [sflag:s5], $0x4000  }
0x86: {  	[sflag:s5] =	ssyncset.done @!p1 $0x0  }
0x87: {  	s6 =	sadd.s32 $0x200, s6;
	[sflag:s5] =	ssyncadd.s32 @!p1 $0xFFFFC000  }
0x88: {  	[tilespmem:s20], [sflag:$0x5] =	stream.indirect.gather [hbm4b:s2+s12], $0x80, s6, s12, $0xb8;
	[tilespmem:$0x15C00] =	vst v63  }
0x89: {  	_ =	swait.ge [sflag:s21], $0x4000  }
0x8a: {  	p0 =	seq.s32 s16, $0x5A00;
	[sflag:s21] =	ssyncset.done $0x0  }
0x8b: {  	s5 =	simm.s32 @p0 $0x3;
	[sflag:s21] =	ssyncadd.s32 $0xFFFFC000  }
0x8c: {  	[hbm4b:s15+s3] =	stream.linear.scatter [tilespmem:s14], [sflag:$0x7], $0x4000, $0x38;
	[tilespmem:$0x15C00] =	vst v63  }
0x8d: {  	_ =	swait.ge @p0 [sflag:s5], $0x4000  }
0x8e: {  	s8 =	simm.s32 @p0 $0x9C00;
	[sflag:s5] =	ssyncset.done @p0 $0x0  }
0x8f: {  	s6 =	rddreg [dreg:$0x4];
	[sflag:s5] =	ssyncadd.s32 @p0 $0xFFFFC000;
	s5 =	simm.s32 @p0 $0x0  }
0x90: {  	[hbm4b:s6+s5] =	stream.linear.scatter @p0 [tilespmem:s8], [sflag:$0x8], $0x4000, $0x38;
	[tilespmem:$0x15C00] =	vst v63  }
0x91: {  	s5 =	simm.s32 @!p0 $0x6  }
0x92: {  	_ =	swait.ge @!p0 [sflag:s5], $0x4000  }
0x93: {  	s9 =	simm.s32 @!p0 $0x80;
	s6 =	sshra.s32 @!p0 s16, $0x2;
	[sflag:s5] =	ssyncset.done @!p0 $0x0  }
0x94: {  	s8 =	sadd.s32 @!p0 $0x280, s6;
	[sflag:s5] =	ssyncadd.s32 @!p0 $0xFFFFC000;
	s5 =	simm.s32 @!p0 $0x1C00  }
0x95: {  	[tilespmem:s5], [sflag:$0x1] =	stream.indirect.gather @!p0 [hbm4b:s2+s9], $0x80, s8, s9, $0xb8;
	[tilespmem:$0x15C00] =	vst v63  }
0x96: {  	s5 =	simm.s32 @!p0 $0x3  }
0x97: {  	_ =	swait.ge @!p0 [sflag:s5], $0x4000  }
0x98: {  	[sflag:s5] =	ssyncset.done @!p0 $0x0  }
0x99: {  	s8 =	simm.s32 @!p0 $0x0;
	[sflag:s5] =	ssyncadd.s32 @!p0 $0xFFFFC000;
	s5 =	simm.s32 @!p0 $0x9C00  }
0x9a: {  	[hbm4b:s0+s8] =	stream.linear.scatter @!p0 [tilespmem:s5], [sflag:$0x8], $0x4000, $0x38;
	[tilespmem:$0x15C00] =	vst v63  }
0x9b: {  	s0 =	simm.s32 @!p0 $0x7  }
0x9c: {  	_ =	swait.ge @!p0 [sflag:s0], $0x4000  }
0x9d: {  	[sflag:s0] =	ssyncset.done @!p0 $0x0  }
0x9e: {  	s8 =	sadd.s32 @!p0 $0x300, s6;
	[sflag:s0] =	ssyncadd.s32 @!p0 $0xFFFFC000;
	s0 =	simm.s32 @!p0 $0x5C00  }
0x9f: {  	[tilespmem:s0], [sflag:$0x2] =	stream.indirect.gather @!p0 [hbm4b:s2+s9], $0x80, s8, s9, $0xb8;
	[tilespmem:$0x15C00] =	vst v63  }
0xa0: {  	_ =	swait.ge [sflag:s22], $0x4000  }
0xa1: {  	[sflag:s22] =	ssyncset.done $0x0  }
0xa2: {  	s0 =	simm.s32 @!p0 $0x8;
	[sflag:s22] =	ssyncadd.s32 $0xFFFFC000  }
0xa3: {  	[hbm4b:s1+s3] =	stream.linear.scatter [tilespmem:s18], [sflag:$0x9], $0x4000, $0x38;
	[tilespmem:$0x15C00] =	vst v63  }
0xa4: {  	_ =	swait.ge @!p0 [sflag:s0], $0x4000  }
0xa5: {  	[sflag:s0] =	ssyncset.done @!p0 $0x0  }
0xa6: {  	[sflag:s0] =	ssyncadd.s32 @!p0 $0xFFFFC000;
	s0 =	sadd.s32 @!p0 $0x380, s6  }
0xa7: {  	[tilespmem:s5], [sflag:$0x3] =	stream.indirect.gather @!p0 [hbm4b:s2+s9], $0x80, s0, s9, $0xb8;
	[tilespmem:$0x15C00] =	vst v63  }
0xa8: {  	_ =	swait.ge [sflag:s23], $0x4000  }
0xa9: {  	[sflag:s23] =	ssyncset.done $0x0  }
0xaa: {  	s24 =	simm.s32 $0x6;
	[sflag:s23] =	ssyncadd.s32 $0xFFFFC000  }
0xab: {  	[hbm4b:s31+s3] =	stream.linear.scatter [tilespmem:s20], [sflag:$0xA], $0x4000, $0x38;
	[tilespmem:$0x15C00] =	vst v63  }
0xac: {  	_ =	swait.ge [sflag:s24], $0x4000  }
0xad: {  	[sflag:s24] =	ssyncset.done $0x0  }
0xae: {  	s25 =	simm.s32 $0x7;
	[sflag:s24] =	ssyncadd.s32 $0xFFFFC000  }
0xaf: {  	_ =	swait.ge [sflag:s25], $0x4000  }
0xb0: {  	[sflag:s25] =	ssyncset.done $0x0  }
0xb1: {  	s26 =	simm.s32 $0x8;
	[sflag:s25] =	ssyncadd.s32 $0xFFFFC000  }
0xb2: {  	_ =	swait.ge [sflag:s26], $0x4000  }
0xb3: {  	[sflag:s26] =	ssyncset.done $0x0  }
0xb4: {  	s28 =	simm.s32 $0x9;
	[sflag:s26] =	ssyncadd.s32 $0xFFFFC000  }
0xb5: {  	_ =	swait.ge [sflag:s28], $0x4000  }
0xb6: {  	[sflag:s28] =	ssyncset.done $0x0  }
0xb7: {  	s29 =	simm.s32 $0xA;
	[sflag:s28] =	ssyncadd.s32 $0xFFFFC000  }
0xb8: {  	_ =	swait.ge [sflag:s29], $0x4000  }
0xb9: {  	s30 =	sadd.s32 $0x1, s30;
	s31 =	rddreg [dreg:$0x7]  }
0xba: {  	p0 =	sne.s32 s30, s31  }
.Ltmp1:
0xbb: {  	_ = 	snop;
	(pc) =	sbr.rel @p0 .LBB2_1-.Ltmp1, $3  }
0xbc: {  	_ =	sdelay $0x1  }
0xbd: {  	[sflag:s29] =	ssyncset.done $0x0  }
0xbe: {  	[sflag:s29] =	ssyncadd.s32 $0xFFFFC000  }
0xbf: {  	_ =	sfence.sel $0x180000  }
0xc0: {  	[bflag:$0x0] =	sbarrier.arrive $0xFFFF  }
0xc1: {  	_ =	strace $0x90000047  }
0xc2: {  	s0 =	stileid.u32;
	[bflag:$0x2] =	sbarrier.arrive $0xFFFF  }
0xc3: {  	p0 =	sne.s32 s0, $0x0;
	s0 =	rddreg [dreg:$0x3]  }
0xc4: {  	s0 =	sadd.s32 @!p0 $0x100000, s0  }
0xc5: {  	[sflag:s0] =	ssyncadd.tile.s32 @!p0 $0x1;
	_ =	shalt  }
.Lfunc_end2:
_tile_overlayer_lowered:
.L_overlay_start_2:
0xc6: {  	(tag) =	ssettag $0x2  }
0xc7: {  	s0 =	rddreg [dreg:$0x0];
	s2 =	stileid.u32  }
0xc8: {  	s1 =	rddreg [dreg:$0x1];
	p0 =	sne.s32 s2, $0x0  }
0xc9: {  	s3 =	rddreg [dreg:$0x2];
	[bflag:$0x3] =	sbarrier.arrive $0xFFFF;
	s2 =	simm.s32 @!p0 $0x1C0B  }
0xca: {  	[timem:s3], [sflag:s2] =	dma.local @!p0 [hbm:s0], s1  }
0xcb: {  	s0 =	simm.s32 @!p0 $0xB  }
0xcc: {  	_ =	swait.ge @!p0 [sflag:s0], s1  }
0xcd: {  	s1 =	ssub.s32 @!p0 $0x0, s1;
	[sflag:s0] =	ssyncset.done @!p0 $0x0  }
0xce: {  	[sflag:s0] =	ssyncadd.s32 @!p0 s1  }
0xcf: {  	[bflag:$0x3] =	sbarrier.arrive $0xFFFF  }
0xd0: {  	_ =	shalt  }

</sc_bundles>
